<compile_context>
chip_gen: v7x
topology: tpu7x:2x2x1
jax: 0.10.2.dev20260603
libtpu: 0.0.44.dev20260713+nightly
codegen_flags: <defaults>
</compile_context>

<pallas_src>
import jax
import jax.numpy as jnp
from jax import lax
from jax.experimental import pallas as pl
from jax.experimental.pallas import tpu as pltpu
from jax.experimental.pallas import tpu_sc as plsc

_N = 131072
_K = 512
_D = 32
_BETA = 0.25
_BN = 4096
_G = _N // _BN

_NC = 2
_NS = 16
_NW = _NC * _NS
_NH = _N // 2
_BPW = _NH // _NW
_CH = 1024
_NCH = _BPW // _CH


def _dist_body(z_ref, emb_ref, inds_ref, loss_ref):
    i = pl.program_id(0)
    z = z_ref[...]
    emb = emb_ref[...]
    e_sq = jnp.sum(emb * emb, axis=1, keepdims=True)
    z_sq = jnp.sum(z * z, axis=1, keepdims=True)
    z_sq_row = jax.lax.transpose(z_sq, (1, 0))
    dist = (z_sq_row + e_sq) - 2.0 * jax.lax.dot_general(
        emb.astype(jnp.bfloat16), z.astype(jnp.bfloat16),
        (((1,), (1,)), ((), ())),
        preferred_element_type=jnp.float32)
    row = jax.lax.broadcasted_iota(jnp.int32, (_K, _BN), 0)
    dmin = jnp.min(dist, axis=0)
    inds = jnp.min(jnp.where(dist == dmin[None, :], row, _K),
                   axis=0).astype(jnp.int32)
    inds_ref[0, 0, :] = inds
    partial = jnp.sum(dmin).reshape(1, 1)

    @pl.when(i == 0)
    def _():
        loss_ref[...] = jnp.zeros((1, 1), jnp.float32)

    loss_ref[...] += partial


_NSPLIT = 2
_G2 = _G // _NSPLIT


def _make_tc_dist(split):
    return pl.pallas_call(
        _dist_body,
        grid=(_G2,),
        in_specs=[
            pl.BlockSpec((_BN, _D), lambda i: (i + split * _G2, 0)),
            pl.BlockSpec((_K, _D), lambda i: (0, 0)),
        ],
        out_specs=[
            pl.BlockSpec((1, 1, _BN), lambda i: (i, 0, 0)),
            pl.BlockSpec((1, 1), lambda i: (0, 0)),
        ],
        out_shape=[
            jax.ShapeDtypeStruct((_G2, 1, _BN), jnp.int32),
            jax.ShapeDtypeStruct((1, 1), jnp.float32),
        ],
    )


_tc_dists = [_make_tc_dist(s) for s in range(_NSPLIT)]


def _gather_body(emb_hbm, idx_hbm, out_hbm, idx_v, rows_v, sem_i, sem_g, sem_s):
    wid = lax.axis_index("s") * _NC + lax.axis_index("c")
    base = wid * _BPW
    pltpu.async_copy(idx_hbm.at[pl.ds(base, _CH)], idx_v.at[0], sem_i).wait()
    store_handles = []
    for c in range(_NCH):
        cur = c % 2
        if c + 1 < _NCH:
            nxt_off = base + (c + 1) * _CH
            h_idx = pltpu.async_copy(
                idx_hbm.at[pl.ds(nxt_off, _CH)], idx_v.at[1 - cur], sem_i)
        if c >= 2:
            store_handles[c - 2].wait()
        pltpu.async_copy(emb_hbm.at[idx_v.at[cur]], rows_v.at[cur],
                         sem_g).wait()
        store_handles.append(pltpu.async_copy(
            rows_v.at[cur], out_hbm.at[pl.ds(base + c * _CH, _CH)], sem_s))
        if c + 1 < _NCH:
            h_idx.wait()
    for h in store_handles[-2:]:
        h.wait()


_sc_gather = pl.kernel(
    _gather_body,
    out_type=jax.ShapeDtypeStruct((_NH, _D), jnp.float32),
    mesh=plsc.VectorSubcoreMesh(core_axis_name="c", subcore_axis_name="s"),
    scratch_types=[
        pltpu.VMEM((2, _CH), jnp.int32),
        pltpu.VMEM((2, _CH, _D), jnp.float32),
        pltpu.SemaphoreType.DMA,
        pltpu.SemaphoreType.DMA,
        pltpu.SemaphoreType.DMA,
    ],
    compiler_params=pltpu.CompilerParams(use_tc_tiling_on_sc=False),
)


def kernel(z_e, embeddings):
    zq_parts, inds_parts = [], []
    loss_acc = None
    for s in range(_NSPLIT):
        inds3, lacc = _tc_dists[s](z_e, embeddings)
        inds_s = inds3.reshape(_NH)
        zq_parts.append(_sc_gather(embeddings, inds_s))
        inds_parts.append(inds_s)
        loss_acc = lacc if loss_acc is None else loss_acc + lacc
    zq = jnp.concatenate(zq_parts, axis=0)
    inds = jnp.concatenate(inds_parts, axis=0)
    loss = loss_acc[0, 0] * ((1.0 + _BETA) / (_N * _D))
    return (zq, inds, loss)

# --- scband reference (transcript-rebuilt; emitter-appended) ---
"""Pipeline reference for scband-vector-quantizer-25220047962780 (READ-ONLY COPY).

The authoritative reference and input builder live on the scoring server;
editing this copy changes nothing except your own understanding.
"""

import jax, jax.numpy as jnp
import numpy as np

N = 131072
K = 512
D = 32
BETA = 0.25

def setup_inputs(seed: int = 0) -> dict:
    key = jax.random.key(seed)
    k1, k2 = jax.random.split(key)
    z_e = jax.random.normal(k1, (N, D), dtype=jnp.float32)
    embeddings = jax.random.uniform(k2, (K, D), dtype=jnp.float32, minval=-1.0 / K, maxval=1.0 / K)
    return {"z_e": z_e, "embeddings": embeddings}

def reference(z_e, embeddings):
    dist = (jnp.sum(z_e ** 2, axis=1, keepdims=True)
            + jnp.sum(embeddings ** 2, axis=1)
            - 2.0 * jnp.matmul(z_e, embeddings.T))
    encoding_inds = jnp.argmin(dist, axis=1)
    z_q = jnp.take(embeddings, encoding_inds, axis=0)
    commitment_loss = jnp.mean((jax.lax.stop_gradient(z_e) - z_q) ** 2)
    codebook_loss = jnp.mean((z_e - jax.lax.stop_gradient(z_q)) ** 2)
    loss = codebook_loss + BETA * commitment_loss
    z_q_st = z_e + jax.lax.stop_gradient(z_q - z_e)
    return (z_q_st, encoding_inds, loss)

if __name__ == "__main__":
    import jax
    _d = setup_inputs()
    print(jax.jit(kernel)(*tuple(_d.values())))

</pallas_src>

<mosaic_0001>
#map = affine_map<(d0, d1) -> (0, 0)>
#map1 = affine_map<(d0, d1) -> (0)>
module attributes {stable_mosaic.version = 14 : i64} {
  func.func @_gather_body(%arg0: i32, %arg1: i32, %arg2: memref<512x32xf32, #tpu.memory_space<hbm>>, %arg3: memref<65536xi32, #tpu.memory_space<hbm>>, %arg4: memref<65536x32xf32, #tpu.memory_space<hbm>>, %arg5: memref<2x1024xi32, #tpu.memory_space<vmem>>, %arg6: memref<2x1024x32xf32, #tpu.memory_space<vmem>>, %arg7: memref<!tpu.dma_semaphore, #tpu.memory_space<semaphore_mem>>, %arg8: memref<!tpu.dma_semaphore, #tpu.memory_space<semaphore_mem>>, %arg9: memref<!tpu.dma_semaphore, #tpu.memory_space<semaphore_mem>>) attributes {dimension_semantics = [#tpu.dimension_semantics<core_parallel>, #tpu.dimension_semantics<subcore_parallel>], iteration_bounds = array<i64: 2, 16>, scalar_prefetch = 0 : i64, scratch_operands = 5 : i64, tpu.core_type = #tpu.core_type<sc_vector_subcore>, window_params = [{transform_indices = #map}, {transform_indices = #map1}, {transform_indices = #map}]} {
    %mul3A = arith.constant 2 : i32
    %mul3A_0 = arith.muli %arg1, %mul3A : i32
    %add3A = arith.addi %mul3A_0, %arg0 : i32
    %mul3A_1 = arith.constant 2048 : i32
    %mul3A_2 = arith.muli %add3A, %mul3A_1 : i32
    %dma_start3A = arith.constant 0 : i32
    %dma_start3A_3 = arith.constant 0 : i32
    %dma_start3A_4 = tpu.memref_slice %arg5[%dma_start3A, %dma_start3A_3] : memref<2x1024xi32, #tpu.memory_space<vmem>> -> memref<1x1024xi32, #tpu.memory_space<vmem>>
    %dma_start3A_5 = tpu.memref_squeeze %dma_start3A_4 : memref<1x1024xi32, #tpu.memory_space<vmem>> -> memref<1024xi32, #tpu.memory_space<vmem>>
    %dma_start3A_6 = tpu.memref_slice %arg3[%mul3A_2] : memref<65536xi32, #tpu.memory_space<hbm>> -> memref<1024xi32, #tpu.memory_space<hbm>>
    %dma_start3A_7 = arith.constant 0 : i32
    %dma_start3A_8 = tpu.memref_slice %arg5[%dma_start3A, %dma_start3A_7] : memref<2x1024xi32, #tpu.memory_space<vmem>> -> memref<1x1024xi32, #tpu.memory_space<vmem>>
    %dma_start3A_9 = tpu.memref_squeeze %dma_start3A_8 : memref<1x1024xi32, #tpu.memory_space<vmem>> -> memref<1024xi32, #tpu.memory_space<vmem>>
    %dma_start3A_10 = tpu.memref_slice %arg3[%mul3A_2] : memref<65536xi32, #tpu.memory_space<hbm>> -> memref<1024xi32, #tpu.memory_space<hbm>>
    tpu.enqueue_dma source(%dma_start3A_10 : memref<1024xi32, #tpu.memory_space<hbm>>) target(%dma_start3A_9 : memref<1024xi32, #tpu.memory_space<vmem>>) target_semaphore(%arg7 : memref<!tpu.dma_semaphore, #tpu.memory_space<semaphore_mem>>)
    %dma_wait3A = arith.constant 0 : i32
    %dma_wait3A_11 = arith.constant 0 : i32
    %dma_wait3A_12 = tpu.memref_slice %arg5[%dma_wait3A, %dma_wait3A_11] : memref<2x1024xi32, #tpu.memory_space<vmem>> -> memref<1x1024xi32, #tpu.memory_space<vmem>>
    %dma_wait3A_13 = tpu.memref_squeeze %dma_wait3A_12 : memref<1x1024xi32, #tpu.memory_space<vmem>> -> memref<1024xi32, #tpu.memory_space<vmem>>
    %dma_wait3A_14 = tpu.memref_slice %arg3[%mul3A_2] : memref<65536xi32, #tpu.memory_space<hbm>> -> memref<1024xi32, #tpu.memory_space<hbm>>
    %dma_wait3A_15 = arith.constant 0 : i32
    %dma_wait3A_16 = tpu.memref_slice %arg5[%dma_wait3A, %dma_wait3A_15] : memref<2x1024xi32, #tpu.memory_space<vmem>> -> memref<1x1024xi32, #tpu.memory_space<vmem>>
    %dma_wait3A_17 = tpu.memref_squeeze %dma_wait3A_16 : memref<1x1024xi32, #tpu.memory_space<vmem>> -> memref<1024xi32, #tpu.memory_space<vmem>>
    %dma_wait3A_18 = tpu.memref_slice %arg3[%mul3A_2] : memref<65536xi32, #tpu.memory_space<hbm>> -> memref<1024xi32, #tpu.memory_space<hbm>>
    tpu.wait_dma2 semaphore(%arg7 : memref<!tpu.dma_semaphore, #tpu.memory_space<semaphore_mem>>) src(%dma_wait3A_18 : memref<1024xi32, #tpu.memory_space<hbm>>) dst(%dma_wait3A_17 : memref<1024xi32, #tpu.memory_space<vmem>>)
    %add3A_19 = arith.constant 1024 : i32
    %add3A_20 = arith.addi %mul3A_2, %add3A_19 : i32
    %dma_start3A_21 = arith.constant 1 : i32
    %dma_start3A_22 = arith.constant 0 : i32
    %dma_start3A_23 = tpu.memref_slice %arg5[%dma_start3A_21, %dma_start3A_22] : memref<2x1024xi32, #tpu.memory_space<vmem>> -> memref<1x1024xi32, #tpu.memory_space<vmem>>
    %dma_start3A_24 = tpu.memref_squeeze %dma_start3A_23 : memref<1x1024xi32, #tpu.memory_space<vmem>> -> memref<1024xi32, #tpu.memory_space<vmem>>
    %dma_start3A_25 = tpu.memref_slice %arg3[%add3A_20] : memref<65536xi32, #tpu.memory_space<hbm>> -> memref<1024xi32, #tpu.memory_space<hbm>>
    %dma_start3A_26 = arith.constant 0 : i32
    %dma_start3A_27 = tpu.memref_slice %arg5[%dma_start3A_21, %dma_start3A_26] : memref<2x1024xi32, #tpu.memory_space<vmem>> -> memref<1x1024xi32, #tpu.memory_space<vmem>>
    %dma_start3A_28 = tpu.memref_squeeze %dma_start3A_27 : memref<1x1024xi32, #tpu.memory_space<vmem>> -> memref<1024xi32, #tpu.memory_space<vmem>>
    %dma_start3A_29 = tpu.memref_slice %arg3[%add3A_20] : memref<65536xi32, #tpu.memory_space<hbm>> -> memref<1024xi32, #tpu.memory_space<hbm>>
    tpu.enqueue_dma source(%dma_start3A_29 : memref<1024xi32, #tpu.memory_space<hbm>>) target(%dma_start3A_28 : memref<1024xi32, #tpu.memory_space<vmem>>) target_semaphore(%arg7 : memref<!tpu.dma_semaphore, #tpu.memory_space<semaphore_mem>>)
    %dma_start3A_30 = arith.constant 0 : i32
    %dma_start3A_31 = arith.constant 0 : i32
    %dma_start3A_32 = arith.constant 0 : i32
    %dma_start3A_33 = arith.constant 0 : i32
    %dma_start3A_34 = tpu.memref_slice %arg6[%dma_start3A_31, %dma_start3A_32, %dma_start3A_33] : memref<2x1024x32xf32, #tpu.memory_space<vmem>> -> memref<1x1024x32xf32, #tpu.memory_space<vmem>>
    %dma_start3A_35 = tpu.memref_squeeze %dma_start3A_34 : memref<1x1024x32xf32, #tpu.memory_space<vmem>> -> memref<1024x32xf32, #tpu.memory_space<vmem>>
    %dma_start3A_36 = arith.constant 0 : i32
    %dma_start3A_37 = tpu.memref_slice %arg5[%dma_start3A_30, %dma_start3A_36] : memref<2x1024xi32, #tpu.memory_space<vmem>> -> memref<1x1024xi32, #tpu.memory_space<vmem>>
    %dma_start3A_38 = tpu.memref_squeeze %dma_start3A_37 : memref<1x1024xi32, #tpu.memory_space<vmem>> -> memref<1024xi32, #tpu.memory_space<vmem>>
    %dma_start3A_39 = arith.constant 0 : i32
    %dma_start3A_40 = arith.constant 0 : i32
    %dma_start3A_41 = tpu.memref_slice %arg2[%dma_start3A_39, %dma_start3A_40] : memref<512x32xf32, #tpu.memory_space<hbm>> -> memref<512x32xf32, #tpu.memory_space<hbm>>
    tpu.enqueue_indirect_dma source(%dma_start3A_41 : memref<512x32xf32, #tpu.memory_space<hbm>>) target(%dma_start3A_35 : memref<1024x32xf32, #tpu.memory_space<vmem>>) offsets(%dma_start3A_38 : memref<1024xi32, #tpu.memory_space<vmem>>) semaphore(%arg8 : memref<!tpu.dma_semaphore, #tpu.memory_space<semaphore_mem>>)
    %dma_wait3A_42 = arith.constant 0 : i32
    %dma_wait3A_43 = arith.constant 0 : i32
    %dma_wait3A_44 = arith.constant 0 : i32
    %dma_wait3A_45 = arith.constant 0 : i32
    %dma_wait3A_46 = tpu.memref_slice %arg6[%dma_wait3A_43, %dma_wait3A_44, %dma_wait3A_45] : memref<2x1024x32xf32, #tpu.memory_space<vmem>> -> memref<1x1024x32xf32, #tpu.memory_space<vmem>>
    %dma_wait3A_47 = tpu.memref_squeeze %dma_wait3A_46 : memref<1x1024x32xf32, #tpu.memory_space<vmem>> -> memref<1024x32xf32, #tpu.memory_space<vmem>>
    %dma_wait3A_48 = arith.constant 0 : i32
    %dma_wait3A_49 = tpu.memref_slice %arg5[%dma_wait3A_42, %dma_wait3A_48] : memref<2x1024xi32, #tpu.memory_space<vmem>> -> memref<1x1024xi32, #tpu.memory_space<vmem>>
    %dma_wait3A_50 = tpu.memref_squeeze %dma_wait3A_49 : memref<1x1024xi32, #tpu.memory_space<vmem>> -> memref<1024xi32, #tpu.memory_space<vmem>>
    %dma_wait3A_51 = arith.constant 0 : i32
    %dma_wait3A_52 = arith.constant 0 : i32
    %dma_wait3A_53 = tpu.memref_slice %arg2[%dma_wait3A_51, %dma_wait3A_52] : memref<512x32xf32, #tpu.memory_space<hbm>> -> memref<512x32xf32, #tpu.memory_space<hbm>>
    tpu.wait_indirect_dma semaphore(%arg8 : memref<!tpu.dma_semaphore, #tpu.memory_space<semaphore_mem>>) src(%dma_wait3A_53 : memref<512x32xf32, #tpu.memory_space<hbm>>) dst(%dma_wait3A_47 : memref<1024x32xf32, #tpu.memory_space<vmem>>)
    %add3A_54 = arith.constant 0 : i32
    %add3A_55 = arith.addi %mul3A_2, %add3A_54 : i32
    %dma_start3A_56 = arith.constant 0 : i32
    %dma_start3A_57 = arith.constant 0 : i32
    %dma_start3A_58 = arith.constant 0 : i32
    %dma_start3A_59 = tpu.memref_slice %arg6[%dma_start3A_56, %dma_start3A_57, %dma_start3A_58] : memref<2x1024x32xf32, #tpu.memory_space<vmem>> -> memref<1x1024x32xf32, #tpu.memory_space<vmem>>
    %dma_start3A_60 = tpu.memref_squeeze %dma_start3A_59 : memref<1x1024x32xf32, #tpu.memory_space<vmem>> -> memref<1024x32xf32, #tpu.memory_space<vmem>>
    %dma_start3A_61 = arith.constant 0 : i32
    %dma_start3A_62 = tpu.memref_slice %arg4[%add3A_55, %dma_start3A_61] : memref<65536x32xf32, #tpu.memory_space<hbm>> -> memref<1024x32xf32, #tpu.memory_space<hbm>>
    %dma_start3A_63 = arith.constant 0 : i32
    %dma_start3A_64 = tpu.memref_slice %arg4[%add3A_55, %dma_start3A_63] : memref<65536x32xf32, #tpu.memory_space<hbm>> -> memref<1024x32xf32, #tpu.memory_space<hbm>>
    %dma_start3A_65 = arith.constant 0 : i32
    %dma_start3A_66 = arith.constant 0 : i32
    %dma_start3A_67 = tpu.memref_slice %arg6[%dma_start3A_56, %dma_start3A_65, %dma_start3A_66] : memref<2x1024x32xf32, #tpu.memory_space<vmem>> -> memref<1x1024x32xf32, #tpu.memory_space<vmem>>
    %dma_start3A_68 = tpu.memref_squeeze %dma_start3A_67 : memref<1x1024x32xf32, #tpu.memory_space<vmem>> -> memref<1024x32xf32, #tpu.memory_space<vmem>>
    tpu.enqueue_dma source(%dma_start3A_68 : memref<1024x32xf32, #tpu.memory_space<vmem>>) target(%dma_start3A_64 : memref<1024x32xf32, #tpu.memory_space<hbm>>) target_semaphore(%arg9 : memref<!tpu.dma_semaphore, #tpu.memory_space<semaphore_mem>>)
    %dma_wait3A_69 = arith.constant 1 : i32
    %dma_wait3A_70 = arith.constant 0 : i32
    %dma_wait3A_71 = tpu.memref_slice %arg5[%dma_wait3A_69, %dma_wait3A_70] : memref<2x1024xi32, #tpu.memory_space<vmem>> -> memref<1x1024xi32, #tpu.memory_space<vmem>>
    %dma_wait3A_72 = tpu.memref_squeeze %dma_wait3A_71 : memref<1x1024xi32, #tpu.memory_space<vmem>> -> memref<1024xi32, #tpu.memory_space<vmem>>
    %dma_wait3A_73 = tpu.memref_slice %arg3[%add3A_20] : memref<65536xi32, #tpu.memory_space<hbm>> -> memref<1024xi32, #tpu.memory_space<hbm>>
    %dma_wait3A_74 = arith.constant 0 : i32
    %dma_wait3A_75 = tpu.memref_slice %arg5[%dma_wait3A_69, %dma_wait3A_74] : memref<2x1024xi32, #tpu.memory_space<vmem>> -> memref<1x1024xi32, #tpu.memory_space<vmem>>
    %dma_wait3A_76 = tpu.memref_squeeze %dma_wait3A_75 : memref<1x1024xi32, #tpu.memory_space<vmem>> -> memref<1024xi32, #tpu.memory_space<vmem>>
    %dma_wait3A_77 = tpu.memref_slice %arg3[%add3A_20] : memref<65536xi32, #tpu.memory_space<hbm>> -> memref<1024xi32, #tpu.memory_space<hbm>>
    tpu.wait_dma2 semaphore(%arg7 : memref<!tpu.dma_semaphore, #tpu.memory_space<semaphore_mem>>) src(%dma_wait3A_77 : memref<1024xi32, #tpu.memory_space<hbm>>) dst(%dma_wait3A_76 : memref<1024xi32, #tpu.memory_space<vmem>>)
    %dma_start3A_78 = arith.constant 1 : i32
    %dma_start3A_79 = arith.constant 1 : i32
    %dma_start3A_80 = arith.constant 0 : i32
    %dma_start3A_81 = arith.constant 0 : i32
    %dma_start3A_82 = tpu.memref_slice %arg6[%dma_start3A_79, %dma_start3A_80, %dma_start3A_81] : memref<2x1024x32xf32, #tpu.memory_space<vmem>> -> memref<1x1024x32xf32, #tpu.memory_space<vmem>>
    %dma_start3A_83 = tpu.memref_squeeze %dma_start3A_82 : memref<1x1024x32xf32, #tpu.memory_space<vmem>> -> memref<1024x32xf32, #tpu.memory_space<vmem>>
    %dma_start3A_84 = arith.constant 0 : i32
    %dma_start3A_85 = tpu.memref_slice %arg5[%dma_start3A_78, %dma_start3A_84] : memref<2x1024xi32, #tpu.memory_space<vmem>> -> memref<1x1024xi32, #tpu.memory_space<vmem>>
    %dma_start3A_86 = tpu.memref_squeeze %dma_start3A_85 : memref<1x1024xi32, #tpu.memory_space<vmem>> -> memref<1024xi32, #tpu.memory_space<vmem>>
    %dma_start3A_87 = arith.constant 0 : i32
    %dma_start3A_88 = arith.constant 0 : i32
    %dma_start3A_89 = tpu.memref_slice %arg2[%dma_start3A_87, %dma_start3A_88] : memref<512x32xf32, #tpu.memory_space<hbm>> -> memref<512x32xf32, #tpu.memory_space<hbm>>
    tpu.enqueue_indirect_dma source(%dma_start3A_89 : memref<512x32xf32, #tpu.memory_space<hbm>>) target(%dma_start3A_83 : memref<1024x32xf32, #tpu.memory_space<vmem>>) offsets(%dma_start3A_86 : memref<1024xi32, #tpu.memory_space<vmem>>) semaphore(%arg8 : memref<!tpu.dma_semaphore, #tpu.memory_space<semaphore_mem>>)
    %dma_wait3A_90 = arith.constant 1 : i32
    %dma_wait3A_91 = arith.constant 1 : i32
    %dma_wait3A_92 = arith.constant 0 : i32
    %dma_wait3A_93 = arith.constant 0 : i32
    %dma_wait3A_94 = tpu.memref_slice %arg6[%dma_wait3A_91, %dma_wait3A_92, %dma_wait3A_93] : memref<2x1024x32xf32, #tpu.memory_space<vmem>> -> memref<1x1024x32xf32, #tpu.memory_space<vmem>>
    %dma_wait3A_95 = tpu.memref_squeeze %dma_wait3A_94 : memref<1x1024x32xf32, #tpu.memory_space<vmem>> -> memref<1024x32xf32, #tpu.memory_space<vmem>>
    %dma_wait3A_96 = arith.constant 0 : i32
    %dma_wait3A_97 = tpu.memref_slice %arg5[%dma_wait3A_90, %dma_wait3A_96] : memref<2x1024xi32, #tpu.memory_space<vmem>> -> memref<1x1024xi32, #tpu.memory_space<vmem>>
    %dma_wait3A_98 = tpu.memref_squeeze %dma_wait3A_97 : memref<1x1024xi32, #tpu.memory_space<vmem>> -> memref<1024xi32, #tpu.memory_space<vmem>>
    %dma_wait3A_99 = arith.constant 0 : i32
    %dma_wait3A_100 = arith.constant 0 : i32
    %dma_wait3A_101 = tpu.memref_slice %arg2[%dma_wait3A_99, %dma_wait3A_100] : memref<512x32xf32, #tpu.memory_space<hbm>> -> memref<512x32xf32, #tpu.memory_space<hbm>>
    tpu.wait_indirect_dma semaphore(%arg8 : memref<!tpu.dma_semaphore, #tpu.memory_space<semaphore_mem>>) src(%dma_wait3A_101 : memref<512x32xf32, #tpu.memory_space<hbm>>) dst(%dma_wait3A_95 : memref<1024x32xf32, #tpu.memory_space<vmem>>)
    %add3A_102 = arith.constant 1024 : i32
    %add3A_103 = arith.addi %mul3A_2, %add3A_102 : i32
    %dma_start3A_104 = arith.constant 1 : i32
    %dma_start3A_105 = arith.constant 0 : i32
    %dma_start3A_106 = arith.constant 0 : i32
    %dma_start3A_107 = tpu.memref_slice %arg6[%dma_start3A_104, %dma_start3A_105, %dma_start3A_106] : memref<2x1024x32xf32, #tpu.memory_space<vmem>> -> memref<1x1024x32xf32, #tpu.memory_space<vmem>>
    %dma_start3A_108 = tpu.memref_squeeze %dma_start3A_107 : memref<1x1024x32xf32, #tpu.memory_space<vmem>> -> memref<1024x32xf32, #tpu.memory_space<vmem>>
    %dma_start3A_109 = arith.constant 0 : i32
    %dma_start3A_110 = tpu.memref_slice %arg4[%add3A_103, %dma_start3A_109] : memref<65536x32xf32, #tpu.memory_space<hbm>> -> memref<1024x32xf32, #tpu.memory_space<hbm>>
    %dma_start3A_111 = arith.constant 0 : i32
    %dma_start3A_112 = tpu.memref_slice %arg4[%add3A_103, %dma_start3A_111] : memref<65536x32xf32, #tpu.memory_space<hbm>> -> memref<1024x32xf32, #tpu.memory_space<hbm>>
    %dma_start3A_113 = arith.constant 0 : i32
    %dma_start3A_114 = arith.constant 0 : i32
    %dma_start3A_115 = tpu.memref_slice %arg6[%dma_start3A_104, %dma_start3A_113, %dma_start3A_114] : memref<2x1024x32xf32, #tpu.memory_space<vmem>> -> memref<1x1024x32xf32, #tpu.memory_space<vmem>>
    %dma_start3A_116 = tpu.memref_squeeze %dma_start3A_115 : memref<1x1024x32xf32, #tpu.memory_space<vmem>> -> memref<1024x32xf32, #tpu.memory_space<vmem>>
    tpu.enqueue_dma source(%dma_start3A_116 : memref<1024x32xf32, #tpu.memory_space<vmem>>) target(%dma_start3A_112 : memref<1024x32xf32, #tpu.memory_space<hbm>>) target_semaphore(%arg9 : memref<!tpu.dma_semaphore, #tpu.memory_space<semaphore_mem>>)
    %dma_wait3A_117 = arith.constant 0 : i32
    %dma_wait3A_118 = arith.constant 0 : i32
    %dma_wait3A_119 = arith.constant 0 : i32
    %dma_wait3A_120 = tpu.memref_slice %arg6[%dma_wait3A_117, %dma_wait3A_118, %dma_wait3A_119] : memref<2x1024x32xf32, #tpu.memory_space<vmem>> -> memref<1x1024x32xf32, #tpu.memory_space<vmem>>
    %dma_wait3A_121 = tpu.memref_squeeze %dma_wait3A_120 : memref<1x1024x32xf32, #tpu.memory_space<vmem>> -> memref<1024x32xf32, #tpu.memory_space<vmem>>
    %dma_wait3A_122 = arith.constant 0 : i32
    %dma_wait3A_123 = tpu.memref_slice %arg4[%add3A_55, %dma_wait3A_122] : memref<65536x32xf32, #tpu.memory_space<hbm>> -> memref<1024x32xf32, #tpu.memory_space<hbm>>
    %dma_wait3A_124 = arith.constant 0 : i32
    %dma_wait3A_125 = tpu.memref_slice %arg4[%add3A_55, %dma_wait3A_124] : memref<65536x32xf32, #tpu.memory_space<hbm>> -> memref<1024x32xf32, #tpu.memory_space<hbm>>
    %dma_wait3A_126 = arith.constant 0 : i32
    %dma_wait3A_127 = arith.constant 0 : i32
    %dma_wait3A_128 = tpu.memref_slice %arg6[%dma_wait3A_117, %dma_wait3A_126, %dma_wait3A_127] : memref<2x1024x32xf32, #tpu.memory_space<vmem>> -> memref<1x1024x32xf32, #tpu.memory_space<vmem>>
    %dma_wait3A_129 = tpu.memref_squeeze %dma_wait3A_128 : memref<1x1024x32xf32, #tpu.memory_space<vmem>> -> memref<1024x32xf32, #tpu.memory_space<vmem>>
    tpu.wait_dma2 semaphore(%arg9 : memref<!tpu.dma_semaphore, #tpu.memory_space<semaphore_mem>>) src(%dma_wait3A_129 : memref<1024x32xf32, #tpu.memory_space<vmem>>) dst(%dma_wait3A_125 : memref<1024x32xf32, #tpu.memory_space<hbm>>)
    %dma_wait3A_130 = arith.constant 1 : i32
    %dma_wait3A_131 = arith.constant 0 : i32
    %dma_wait3A_132 = arith.constant 0 : i32
    %dma_wait3A_133 = tpu.memref_slice %arg6[%dma_wait3A_130, %dma_wait3A_131, %dma_wait3A_132] : memref<2x1024x32xf32, #tpu.memory_space<vmem>> -> memref<1x1024x32xf32, #tpu.memory_space<vmem>>
    %dma_wait3A_134 = tpu.memref_squeeze %dma_wait3A_133 : memref<1x1024x32xf32, #tpu.memory_space<vmem>> -> memref<1024x32xf32, #tpu.memory_space<vmem>>
    %dma_wait3A_135 = arith.constant 0 : i32
    %dma_wait3A_136 = tpu.memref_slice %arg4[%add3A_103, %dma_wait3A_135] : memref<65536x32xf32, #tpu.memory_space<hbm>> -> memref<1024x32xf32, #tpu.memory_space<hbm>>
    %dma_wait3A_137 = arith.constant 0 : i32
    %dma_wait3A_138 = tpu.memref_slice %arg4[%add3A_103, %dma_wait3A_137] : memref<65536x32xf32, #tpu.memory_space<hbm>> -> memref<1024x32xf32, #tpu.memory_space<hbm>>
    %dma_wait3A_139 = arith.constant 0 : i32
    %dma_wait3A_140 = arith.constant 0 : i32
    %dma_wait3A_141 = tpu.memref_slice %arg6[%dma_wait3A_130, %dma_wait3A_139, %dma_wait3A_140] : memref<2x1024x32xf32, #tpu.memory_space<vmem>> -> memref<1x1024x32xf32, #tpu.memory_space<vmem>>
    %dma_wait3A_142 = tpu.memref_squeeze %dma_wait3A_141 : memref<1x1024x32xf32, #tpu.memory_space<vmem>> -> memref<1024x32xf32, #tpu.memory_space<vmem>>
    tpu.wait_dma2 semaphore(%arg9 : memref<!tpu.dma_semaphore, #tpu.memory_space<semaphore_mem>>) src(%dma_wait3A_142 : memref<1024x32xf32, #tpu.memory_space<vmem>>) dst(%dma_wait3A_138 : memref<1024x32xf32, #tpu.memory_space<hbm>>)
    return
  }
}

#map = affine_map<(d0, d1) -> (0, 0)>
#map1 = affine_map<(d0, d1) -> (0)>
module attributes {stable_mosaic.version = 14 : i64} {
  func.func @_gather_body(%arg0: i32, %arg1: i32, %arg2: memref<512x32xf32, #tpu.memory_space<hbm>>, %arg3: memref<65536xi32, #tpu.memory_space<hbm>>, %arg4: memref<65536x32xf32, #tpu.memory_space<hbm>>, %arg5: memref<2x1024xi32, #tpu.memory_space<vmem>>, %arg6: memref<2x1024x32xf32, #tpu.memory_space<vmem>>, %arg7: memref<!tpu.dma_semaphore, #tpu.memory_space<semaphore_mem>>, %arg8: memref<!tpu.dma_semaphore, #tpu.memory_space<semaphore_mem>>, %arg9: memref<!tpu.dma_semaphore, #tpu.memory_space<semaphore_mem>>) attributes {dimension_semantics = [#tpu.dimension_semantics<core_parallel>, #tpu.dimension_semantics<subcore_parallel>], iteration_bounds = array<i64: 2, 16>, scalar_prefetch = 0 : i64, scratch_operands = 5 : i64, tpu.core_type = #tpu.core_type<sc_vector_subcore>, window_params = [{transform_indices = #map}, {transform_indices = #map1}, {transform_indices = #map}]} {
    %mul3A = arith.constant 2 : i32
    %mul3A_0 = arith.muli %arg1, %mul3A : i32
    %add3A = arith.addi %mul3A_0, %arg0 : i32
    %mul3A_1 = arith.constant 2048 : i32
    %mul3A_2 = arith.muli %add3A, %mul3A_1 : i32
    %dma_start3A = arith.constant 0 : i32
    %dma_start3A_3 = arith.constant 0 : i32
    %dma_start3A_4 = tpu.memref_slice %arg5[%dma_start3A, %dma_start3A_3] : memref<2x1024xi32, #tpu.memory_space<vmem>> -> memref<1x1024xi32, #tpu.memory_space<vmem>>
    %dma_start3A_5 = tpu.memref_squeeze %dma_start3A_4 : memref<1x1024xi32, #tpu.memory_space<vmem>> -> memref<1024xi32, #tpu.memory_space<vmem>>
    %dma_start3A_6 = tpu.memref_slice %arg3[%mul3A_2] : memref<65536xi32, #tpu.memory_space<hbm>> -> memref<1024xi32, #tpu.memory_space<hbm>>
    %dma_start3A_7 = arith.constant 0 : i32
    %dma_start3A_8 = tpu.memref_slice %arg5[%dma_start3A, %dma_start3A_7] : memref<2x1024xi32, #tpu.memory_space<vmem>> -> memref<1x1024xi32, #tpu.memory_space<vmem>>
    %dma_start3A_9 = tpu.memref_squeeze %dma_start3A_8 : memref<1x1024xi32, #tpu.memory_space<vmem>> -> memref<1024xi32, #tpu.memory_space<vmem>>
    %dma_start3A_10 = tpu.memref_slice %arg3[%mul3A_2] : memref<65536xi32, #tpu.memory_space<hbm>> -> memref<1024xi32, #tpu.memory_space<hbm>>
    tpu.enqueue_dma source(%dma_start3A_10 : memref<1024xi32, #tpu.memory_space<hbm>>) target(%dma_start3A_9 : memref<1024xi32, #tpu.memory_space<vmem>>) target_semaphore(%arg7 : memref<!tpu.dma_semaphore, #tpu.memory_space<semaphore_mem>>)
    %dma_wait3A = arith.constant 0 : i32
    %dma_wait3A_11 = arith.constant 0 : i32
    %dma_wait3A_12 = tpu.memref_slice %arg5[%dma_wait3A, %dma_wait3A_11] : memref<2x1024xi32, #tpu.memory_space<vmem>> -> memref<1x1024xi32, #tpu.memory_space<vmem>>
    %dma_wait3A_13 = tpu.memref_squeeze %dma_wait3A_12 : memref<1x1024xi32, #tpu.memory_space<vmem>> -> memref<1024xi32, #tpu.memory_space<vmem>>
    %dma_wait3A_14 = tpu.memref_slice %arg3[%mul3A_2] : memref<65536xi32, #tpu.memory_space<hbm>> -> memref<1024xi32, #tpu.memory_space<hbm>>
    %dma_wait3A_15 = arith.constant 0 : i32
    %dma_wait3A_16 = tpu.memref_slice %arg5[%dma_wait3A, %dma_wait3A_15] : memref<2x1024xi32, #tpu.memory_space<vmem>> -> memref<1x1024xi32, #tpu.memory_space<vmem>>
    %dma_wait3A_17 = tpu.memref_squeeze %dma_wait3A_16 : memref<1x1024xi32, #tpu.memory_space<vmem>> -> memref<1024xi32, #tpu.memory_space<vmem>>
    %dma_wait3A_18 = tpu.memref_slice %arg3[%mul3A_2] : memref<65536xi32, #tpu.memory_space<hbm>> -> memref<1024xi32, #tpu.memory_space<hbm>>
    tpu.wait_dma2 semaphore(%arg7 : memref<!tpu.dma_semaphore, #tpu.memory_space<semaphore_mem>>) src(%dma_wait3A_18 : memref<1024xi32, #tpu.memory_space<hbm>>) dst(%dma_wait3A_17 : memref<1024xi32, #tpu.memory_space<vmem>>)
    %add3A_19 = arith.constant 1024 : i32
    %add3A_20 = arith.addi %mul3A_2, %add3A_19 : i32
    %dma_start3A_21 = arith.constant 1 : i32
    %dma_start3A_22 = arith.constant 0 : i32
    %dma_start3A_23 = tpu.memref_slice %arg5[%dma_start3A_21, %dma_start3A_22] : memref<2x1024xi32, #tpu.memory_space<vmem>> -> memref<1x1024xi32, #tpu.memory_space<vmem>>
    %dma_start3A_24 = tpu.memref_squeeze %dma_start3A_23 : memref<1x1024xi32, #tpu.memory_space<vmem>> -> memref<1024xi32, #tpu.memory_space<vmem>>
    %dma_start3A_25 = tpu.memref_slice %arg3[%add3A_20] : memref<65536xi32, #tpu.memory_space<hbm>> -> memref<1024xi32, #tpu.memory_space<hbm>>
    %dma_start3A_26 = arith.constant 0 : i32
    %dma_start3A_27 = tpu.memref_slice %arg5[%dma_start3A_21, %dma_start3A_26] : memref<2x1024xi32, #tpu.memory_space<vmem>> -> memref<1x1024xi32, #tpu.memory_space<vmem>>
    %dma_start3A_28 = tpu.memref_squeeze %dma_start3A_27 : memref<1x1024xi32, #tpu.memory_space<vmem>> -> memref<1024xi32, #tpu.memory_space<vmem>>
    %dma_start3A_29 = tpu.memref_slice %arg3[%add3A_20] : memref<65536xi32, #tpu.memory_space<hbm>> -> memref<1024xi32, #tpu.memory_space<hbm>>
    tpu.enqueue_dma source(%dma_start3A_29 : memref<1024xi32, #tpu.memory_space<hbm>>) target(%dma_start3A_28 : memref<1024xi32, #tpu.memory_space<vmem>>) target_semaphore(%arg7 : memref<!tpu.dma_semaphore, #tpu.memory_space<semaphore_mem>>)
    %dma_start3A_30 = arith.constant 0 : i32
    %dma_start3A_31 = arith.constant 0 : i32
    %dma_start3A_32 = arith.constant 0 : i32
    %dma_start3A_33 = arith.constant 0 : i32
    %dma_start3A_34 = tpu.memref_slice %arg6[%dma_start3A_31, %dma_start3A_32, %dma_start3A_33] : memref<2x1024x32xf32, #tpu.memory_space<vmem>> -> memref<1x1024x32xf32, #tpu.memory_space<vmem>>
    %dma_start3A_35 = tpu.memref_squeeze %dma_start3A_34 : memref<1x1024x32xf32, #tpu.memory_space<vmem>> -> memref<1024x32xf32, #tpu.memory_space<vmem>>
    %dma_start3A_36 = arith.constant 0 : i32
    %dma_start3A_37 = tpu.memref_slice %arg5[%dma_start3A_30, %dma_start3A_36] : memref<2x1024xi32, #tpu.memory_space<vmem>> -> memref<1x1024xi32, #tpu.memory_space<vmem>>
    %dma_start3A_38 = tpu.memref_squeeze %dma_start3A_37 : memref<1x1024xi32, #tpu.memory_space<vmem>> -> memref<1024xi32, #tpu.memory_space<vmem>>
    %dma_start3A_39 = arith.constant 0 : i32
    %dma_start3A_40 = arith.constant 0 : i32
    %dma_start3A_41 = tpu.memref_slice %arg2[%dma_start3A_39, %dma_start3A_40] : memref<512x32xf32, #tpu.memory_space<hbm>> -> memref<512x32xf32, #tpu.memory_space<hbm>>
    tpu.enqueue_indirect_dma source(%dma_start3A_41 : memref<512x32xf32, #tpu.memory_space<hbm>>) target(%dma_start3A_35 : memref<1024x32xf32, #tpu.memory_space<vmem>>) offsets(%dma_start3A_38 : memref<1024xi32, #tpu.memory_space<vmem>>) semaphore(%arg8 : memref<!tpu.dma_semaphore, #tpu.memory_space<semaphore_mem>>)
    %dma_wait3A_42 = arith.constant 0 : i32
    %dma_wait3A_43 = arith.constant 0 : i32
    %dma_wait3A_44 = arith.constant 0 : i32
    %dma_wait3A_45 = arith.constant 0 : i32
    %dma_wait3A_46 = tpu.memref_slice %arg6[%dma_wait3A_43, %dma_wait3A_44, %dma_wait3A_45] : memref<2x1024x32xf32, #tpu.memory_space<vmem>> -> memref<1x1024x32xf32, #tpu.memory_space<vmem>>
    %dma_wait3A_47 = tpu.memref_squeeze %dma_wait3A_46 : memref<1x1024x32xf32, #tpu.memory_space<vmem>> -> memref<1024x32xf32, #tpu.memory_space<vmem>>
    %dma_wait3A_48 = arith.constant 0 : i32
    %dma_wait3A_49 = tpu.memref_slice %arg5[%dma_wait3A_42, %dma_wait3A_48] : memref<2x1024xi32, #tpu.memory_space<vmem>> -> memref<1x1024xi32, #tpu.memory_space<vmem>>
    %dma_wait3A_50 = tpu.memref_squeeze %dma_wait3A_49 : memref<1x1024xi32, #tpu.memory_space<vmem>> -> memref<1024xi32, #tpu.memory_space<vmem>>
    %dma_wait3A_51 = arith.constant 0 : i32
    %dma_wait3A_52 = arith.constant 0 : i32
    %dma_wait3A_53 = tpu.memref_slice %arg2[%dma_wait3A_51, %dma_wait3A_52] : memref<512x32xf32, #tpu.memory_space<hbm>> -> memref<512x32xf32, #tpu.memory_space<hbm>>
    tpu.wait_indirect_dma semaphore(%arg8 : memref<!tpu.dma_semaphore, #tpu.memory_space<semaphore_mem>>) src(%dma_wait3A_53 : memref<512x32xf32, #tpu.memory_space<hbm>>) dst(%dma_wait3A_47 : memref<1024x32xf32, #tpu.memory_space<vmem>>)
    %add3A_54 = arith.constant 0 : i32
    %add3A_55 = arith.addi %mul3A_2, %add3A_54 : i32
    %dma_start3A_56 = arith.constant 0 : i32
    %dma_start3A_57 = arith.constant 0 : i32
    %dma_start3A_58 = arith.constant 0 : i32
    %dma_start3A_59 = tpu.memref_slice %arg6[%dma_start3A_56, %dma_start3A_57, %dma_start3A_58] : memref<2x1024x32xf32, #tpu.memory_space<vmem>> -> memref<1x1024x32xf32, #tpu.memory_space<vmem>>
    %dma_start3A_60 = tpu.memref_squeeze %dma_start3A_59 : memref<1x1024x32xf32, #tpu.memory_space<vmem>> -> memref<1024x32xf32, #tpu.memory_space<vmem>>
    %dma_start3A_61 = arith.constant 0 : i32
    %dma_start3A_62 = tpu.memref_slice %arg4[%add3A_55, %dma_start3A_61] : memref<65536x32xf32, #tpu.memory_space<hbm>> -> memref<1024x32xf32, #tpu.memory_space<hbm>>
    %dma_start3A_63 = arith.constant 0 : i32
    %dma_start3A_64 = tpu.memref_slice %arg4[%add3A_55, %dma_start3A_63] : memref<65536x32xf32, #tpu.memory_space<hbm>> -> memref<1024x32xf32, #tpu.memory_space<hbm>>
    %dma_start3A_65 = arith.constant 0 : i32
    %dma_start3A_66 = arith.constant 0 : i32
    %dma_start3A_67 = tpu.memref_slice %arg6[%dma_start3A_56, %dma_start3A_65, %dma_start3A_66] : memref<2x1024x32xf32, #tpu.memory_space<vmem>> -> memref<1x1024x32xf32, #tpu.memory_space<vmem>>
    %dma_start3A_68 = tpu.memref_squeeze %dma_start3A_67 : memref<1x1024x32xf32, #tpu.memory_space<vmem>> -> memref<1024x32xf32, #tpu.memory_space<vmem>>
    tpu.enqueue_dma source(%dma_start3A_68 : memref<1024x32xf32, #tpu.memory_space<vmem>>) target(%dma_start3A_64 : memref<1024x32xf32, #tpu.memory_space<hbm>>) target_semaphore(%arg9 : memref<!tpu.dma_semaphore, #tpu.memory_space<semaphore_mem>>)
    %dma_wait3A_69 = arith.constant 1 : i32
    %dma_wait3A_70 = arith.constant 0 : i32
    %dma_wait3A_71 = tpu.memref_slice %arg5[%dma_wait3A_69, %dma_wait3A_70] : memref<2x1024xi32, #tpu.memory_space<vmem>> -> memref<1x1024xi32, #tpu.memory_space<vmem>>
    %dma_wait3A_72 = tpu.memref_squeeze %dma_wait3A_71 : memref<1x1024xi32, #tpu.memory_space<vmem>> -> memref<1024xi32, #tpu.memory_space<vmem>>
    %dma_wait3A_73 = tpu.memref_slice %arg3[%add3A_20] : memref<65536xi32, #tpu.memory_space<hbm>> -> memref<1024xi32, #tpu.memory_space<hbm>>
    %dma_wait3A_74 = arith.constant 0 : i32
    %dma_wait3A_75 = tpu.memref_slice %arg5[%dma_wait3A_69, %dma_wait3A_74] : memref<2x1024xi32, #tpu.memory_space<vmem>> -> memref<1x1024xi32, #tpu.memory_space<vmem>>
    %dma_wait3A_76 = tpu.memref_squeeze %dma_wait3A_75 : memref<1x1024xi32, #tpu.memory_space<vmem>> -> memref<1024xi32, #tpu.memory_space<vmem>>
    %dma_wait3A_77 = tpu.memref_slice %arg3[%add3A_20] : memref<65536xi32, #tpu.memory_space<hbm>> -> memref<1024xi32, #tpu.memory_space<hbm>>
    tpu.wait_dma2 semaphore(%arg7 : memref<!tpu.dma_semaphore, #tpu.memory_space<semaphore_mem>>) src(%dma_wait3A_77 : memref<1024xi32, #tpu.memory_space<hbm>>) dst(%dma_wait3A_76 : memref<1024xi32, #tpu.memory_space<vmem>>)
    %dma_start3A_78 = arith.constant 1 : i32
    %dma_start3A_79 = arith.constant 1 : i32
    %dma_start3A_80 = arith.constant 0 : i32
    %dma_start3A_81 = arith.constant 0 : i32
    %dma_start3A_82 = tpu.memref_slice %arg6[%dma_start3A_79, %dma_start3A_80, %dma_start3A_81] : memref<2x1024x32xf32, #tpu.memory_space<vmem>> -> memref<1x1024x32xf32, #tpu.memory_space<vmem>>
    %dma_start3A_83 = tpu.memref_squeeze %dma_start3A_82 : memref<1x1024x32xf32, #tpu.memory_space<vmem>> -> memref<1024x32xf32, #tpu.memory_space<vmem>>
    %dma_start3A_84 = arith.constant 0 : i32
    %dma_start3A_85 = tpu.memref_slice %arg5[%dma_start3A_78, %dma_start3A_84] : memref<2x1024xi32, #tpu.memory_space<vmem>> -> memref<1x1024xi32, #tpu.memory_space<vmem>>
    %dma_start3A_86 = tpu.memref_squeeze %dma_start3A_85 : memref<1x1024xi32, #tpu.memory_space<vmem>> -> memref<1024xi32, #tpu.memory_space<vmem>>
    %dma_start3A_87 = arith.constant 0 : i32
    %dma_start3A_88 = arith.constant 0 : i32
    %dma_start3A_89 = tpu.memref_slice %arg2[%dma_start3A_87, %dma_start3A_88] : memref<512x32xf32, #tpu.memory_space<hbm>> -> memref<512x32xf32, #tpu.memory_space<hbm>>
    tpu.enqueue_indirect_dma source(%dma_start3A_89 : memref<512x32xf32, #tpu.memory_space<hbm>>) target(%dma_start3A_83 : memref<1024x32xf32, #tpu.memory_space<vmem>>) offsets(%dma_start3A_86 : memref<1024xi32, #tpu.memory_space<vmem>>) semaphore(%arg8 : memref<!tpu.dma_semaphore, #tpu.memory_space<semaphore_mem>>)
    %dma_wait3A_90 = arith.constant 1 : i32
    %dma_wait3A_91 = arith.constant 1 : i32
    %dma_wait3A_92 = arith.constant 0 : i32
    %dma_wait3A_93 = arith.constant 0 : i32
    %dma_wait3A_94 = tpu.memref_slice %arg6[%dma_wait3A_91, %dma_wait3A_92, %dma_wait3A_93] : memref<2x1024x32xf32, #tpu.memory_space<vmem>> -> memref<1x1024x32xf32, #tpu.memory_space<vmem>>
    %dma_wait3A_95 = tpu.memref_squeeze %dma_wait3A_94 : memref<1x1024x32xf32, #tpu.memory_space<vmem>> -> memref<1024x32xf32, #tpu.memory_space<vmem>>
    %dma_wait3A_96 = arith.constant 0 : i32
    %dma_wait3A_97 = tpu.memref_slice %arg5[%dma_wait3A_90, %dma_wait3A_96] : memref<2x1024xi32, #tpu.memory_space<vmem>> -> memref<1x1024xi32, #tpu.memory_space<vmem>>
    %dma_wait3A_98 = tpu.memref_squeeze %dma_wait3A_97 : memref<1x1024xi32, #tpu.memory_space<vmem>> -> memref<1024xi32, #tpu.memory_space<vmem>>
    %dma_wait3A_99 = arith.constant 0 : i32
    %dma_wait3A_100 = arith.constant 0 : i32
    %dma_wait3A_101 = tpu.memref_slice %arg2[%dma_wait3A_99, %dma_wait3A_100] : memref<512x32xf32, #tpu.memory_space<hbm>> -> memref<512x32xf32, #tpu.memory_space<hbm>>
    tpu.wait_indirect_dma semaphore(%arg8 : memref<!tpu.dma_semaphore, #tpu.memory_space<semaphore_mem>>) src(%dma_wait3A_101 : memref<512x32xf32, #tpu.memory_space<hbm>>) dst(%dma_wait3A_95 : memref<1024x32xf32, #tpu.memory_space<vmem>>)
    %add3A_102 = arith.constant 1024 : i32
    %add3A_103 = arith.addi %mul3A_2, %add3A_102 : i32
    %dma_start3A_104 = arith.constant 1 : i32
    %dma_start3A_105 = arith.constant 0 : i32
    %dma_start3A_106 = arith.constant 0 : i32
    %dma_start3A_107 = tpu.memref_slice %arg6[%dma_start3A_104, %dma_start3A_105, %dma_start3A_106] : memref<2x1024x32xf32, #tpu.memory_space<vmem>> -> memref<1x1024x32xf32, #tpu.memory_space<vmem>>
    %dma_start3A_108 = tpu.memref_squeeze %dma_start3A_107 : memref<1x1024x32xf32, #tpu.memory_space<vmem>> -> memref<1024x32xf32, #tpu.memory_space<vmem>>
    %dma_start3A_109 = arith.constant 0 : i32
    %dma_start3A_110 = tpu.memref_slice %arg4[%add3A_103, %dma_start3A_109] : memref<65536x32xf32, #tpu.memory_space<hbm>> -> memref<1024x32xf32, #tpu.memory_space<hbm>>
    %dma_start3A_111 = arith.constant 0 : i32
    %dma_start3A_112 = tpu.memref_slice %arg4[%add3A_103, %dma_start3A_111] : memref<65536x32xf32, #tpu.memory_space<hbm>> -> memref<1024x32xf32, #tpu.memory_space<hbm>>
    %dma_start3A_113 = arith.constant 0 : i32
    %dma_start3A_114 = arith.constant 0 : i32
    %dma_start3A_115 = tpu.memref_slice %arg6[%dma_start3A_104, %dma_start3A_113, %dma_start3A_114] : memref<2x1024x32xf32, #tpu.memory_space<vmem>> -> memref<1x1024x32xf32, #tpu.memory_space<vmem>>
    %dma_start3A_116 = tpu.memref_squeeze %dma_start3A_115 : memref<1x1024x32xf32, #tpu.memory_space<vmem>> -> memref<1024x32xf32, #tpu.memory_space<vmem>>
    tpu.enqueue_dma source(%dma_start3A_116 : memref<1024x32xf32, #tpu.memory_space<vmem>>) target(%dma_start3A_112 : memref<1024x32xf32, #tpu.memory_space<hbm>>) target_semaphore(%arg9 : memref<!tpu.dma_semaphore, #tpu.memory_space<semaphore_mem>>)
    %dma_wait3A_117 = arith.constant 0 : i32
    %dma_wait3A_118 = arith.constant 0 : i32
    %dma_wait3A_119 = arith.constant 0 : i32
    %dma_wait3A_120 = tpu.memref_slice %arg6[%dma_wait3A_117, %dma_wait3A_118, %dma_wait3A_119] : memref<2x1024x32xf32, #tpu.memory_space<vmem>> -> memref<1x1024x32xf32, #tpu.memory_space<vmem>>
    %dma_wait3A_121 = tpu.memref_squeeze %dma_wait3A_120 : memref<1x1024x32xf32, #tpu.memory_space<vmem>> -> memref<1024x32xf32, #tpu.memory_space<vmem>>
    %dma_wait3A_122 = arith.constant 0 : i32
    %dma_wait3A_123 = tpu.memref_slice %arg4[%add3A_55, %dma_wait3A_122] : memref<65536x32xf32, #tpu.memory_space<hbm>> -> memref<1024x32xf32, #tpu.memory_space<hbm>>
    %dma_wait3A_124 = arith.constant 0 : i32
    %dma_wait3A_125 = tpu.memref_slice %arg4[%add3A_55, %dma_wait3A_124] : memref<65536x32xf32, #tpu.memory_space<hbm>> -> memref<1024x32xf32, #tpu.memory_space<hbm>>
    %dma_wait3A_126 = arith.constant 0 : i32
    %dma_wait3A_127 = arith.constant 0 : i32
    %dma_wait3A_128 = tpu.memref_slice %arg6[%dma_wait3A_117, %dma_wait3A_126, %dma_wait3A_127] : memref<2x1024x32xf32, #tpu.memory_space<vmem>> -> memref<1x1024x32xf32, #tpu.memory_space<vmem>>
    %dma_wait3A_129 = tpu.memref_squeeze %dma_wait3A_128 : memref<1x1024x32xf32, #tpu.memory_space<vmem>> -> memref<1024x32xf32, #tpu.memory_space<vmem>>
    tpu.wait_dma2 semaphore(%arg9 : memref<!tpu.dma_semaphore, #tpu.memory_space<semaphore_mem>>) src(%dma_wait3A_129 : memref<1024x32xf32, #tpu.memory_space<vmem>>) dst(%dma_wait3A_125 : memref<1024x32xf32, #tpu.memory_space<hbm>>)
    %dma_wait3A_130 = arith.constant 1 : i32
    %dma_wait3A_131 = arith.constant 0 : i32
    %dma_wait3A_132 = arith.constant 0 : i32
    %dma_wait3A_133 = tpu.memref_slice %arg6[%dma_wait3A_130, %dma_wait3A_131, %dma_wait3A_132] : memref<2x1024x32xf32, #tpu.memory_space<vmem>> -> memref<1x1024x32xf32, #tpu.memory_space<vmem>>
    %dma_wait3A_134 = tpu.memref_squeeze %dma_wait3A_133 : memref<1x1024x32xf32, #tpu.memory_space<vmem>> -> memref<1024x32xf32, #tpu.memory_space<vmem>>
    %dma_wait3A_135 = arith.constant 0 : i32
    %dma_wait3A_136 = tpu.memref_slice %arg4[%add3A_103, %dma_wait3A_135] : memref<65536x32xf32, #tpu.memory_space<hbm>> -> memref<1024x32xf32, #tpu.memory_space<hbm>>
    %dma_wait3A_137 = arith.constant 0 : i32
    %dma_wait3A_138 = tpu.memref_slice %arg4[%add3A_103, %dma_wait3A_137] : memref<65536x32xf32, #tpu.memory_space<hbm>> -> memref<1024x32xf32, #tpu.memory_space<hbm>>
    %dma_wait3A_139 = arith.constant 0 : i32
    %dma_wait3A_140 = arith.constant 0 : i32
    %dma_wait3A_141 = tpu.memref_slice %arg6[%dma_wait3A_130, %dma_wait3A_139, %dma_wait3A_140] : memref<2x1024x32xf32, #tpu.memory_space<vmem>> -> memref<1x1024x32xf32, #tpu.memory_space<vmem>>
    %dma_wait3A_142 = tpu.memref_squeeze %dma_wait3A_141 : memref<1x1024x32xf32, #tpu.memory_space<vmem>> -> memref<1024x32xf32, #tpu.memory_space<vmem>>
    tpu.wait_dma2 semaphore(%arg9 : memref<!tpu.dma_semaphore, #tpu.memory_space<semaphore_mem>>) src(%dma_wait3A_142 : memref<1024x32xf32, #tpu.memory_space<vmem>>) dst(%dma_wait3A_138 : memref<1024x32xf32, #tpu.memory_space<hbm>>)
    return
  }
}

module attributes {stable_mosaic.version = 14 : i64} {
  func.func @_dist_body(%arg0: i32, %arg1: memref<4096x32xf32, #tpu.memory_space<vmem>>, %arg2: memref<512x32xf32, #tpu.memory_space<vmem>>, %arg3: memref<1x1x4096xi32, #tpu.memory_space<vmem>>, %arg4: memref<1x1xf32, #tpu.memory_space<vmem>>) attributes {dimension_semantics = [#tpu.dimension_semantics<arbitrary>], iteration_bounds = array<i64: 16>, scalar_prefetch = 0 : i64, scratch_operands = 0 : i64, tpu.core_type = #tpu.core_type<tc>, window_params = [{transform_indices = @transform_0, window_bounds = array<i64: 4096, 32>}, {pipeline_mode = #tpu.pipeline_mode<synchronous>, transform_indices = @transform_1, window_bounds = array<i64: 512, 32>}, {transform_indices = @transform_2, window_bounds = array<i64: 1, 1, 4096>}, {pipeline_mode = #tpu.pipeline_mode<synchronous>, transform_indices = @transform_3, window_bounds = array<i64: 1, 1>}]} {
    %get3A = arith.constant 0 : index
    %get3A_0 = arith.constant 0 : index
    %get3A_1 = vector.load %arg1[%get3A, %get3A_0] : memref<4096x32xf32, #tpu.memory_space<vmem>>, vector<4096x32xf32>
    %get3A_2 = arith.constant 0 : index
    %get3A_3 = arith.constant 0 : index
    %get3A_4 = vector.load %arg2[%get3A_2, %get3A_3] : memref<512x32xf32, #tpu.memory_space<vmem>>, vector<512x32xf32>
    %mul3A = arith.mulf %get3A_4, %get3A_4 : vector<512x32xf32>
    %reduce_sum3A = arith.constant dense<0.000000e+00> : vector<512xf32>
    %reduce_sum3A_5 = vector.multi_reduction <add>, %mul3A, %reduce_sum3A [1] : vector<512x32xf32> to vector<512xf32>
    %broadcast_in_dim3A = vector.shape_cast %reduce_sum3A_5 : vector<512xf32> to vector<512x1xf32>
    %mul3A_6 = arith.mulf %get3A_1, %get3A_1 : vector<4096x32xf32>
    %reduce_sum3A_7 = arith.constant dense<0.000000e+00> : vector<4096xf32>
    %reduce_sum3A_8 = vector.multi_reduction <add>, %mul3A_6, %reduce_sum3A_7 [1] : vector<4096x32xf32> to vector<4096xf32>
    %broadcast_in_dim3A_9 = vector.shape_cast %reduce_sum3A_8 : vector<4096xf32> to vector<4096x1xf32>
    %transpose3A = tpu.transpose %broadcast_in_dim3A_9, [1, 0] : vector<4096x1xf32> -> vector<1x4096xf32>
    %add3A = vector.broadcast %transpose3A : vector<1x4096xf32> to vector<512x4096xf32>
    %add3A_10 = vector.broadcast %broadcast_in_dim3A : vector<512x1xf32> to vector<512x4096xf32>
    %add3A_11 = arith.addf %add3A, %add3A_10 : vector<512x4096xf32>
    %convert_element_type3A = arith.truncf %get3A_4 : vector<512x32xf32> to vector<512x32xbf16>
    %convert_element_type3A_12 = arith.truncf %get3A_1 : vector<4096x32xf32> to vector<4096x32xbf16>
    %dot_general3A = arith.constant dense<0.000000e+00> : vector<512x4096xf32>
    %dot_general3A_13 = tpu.matmul %convert_element_type3A, %convert_element_type3A_12, %dot_general3A {dimension_numbers = #tpu.dot_dimension_numbers<[1], [1], [0], [0], [0, 0, 1, 0], [], []>, transpose_lhs_hint = false} : vector<512x32xbf16>, vector<4096x32xbf16>, vector<512x4096xf32> -> vector<512x4096xf32>
    %mul3A_14 = arith.constant 2.000000e+00 : f32
    %mul3A_15 = vector.broadcast %mul3A_14 : f32 to vector<512x4096xf32>
    %mul3A_16 = arith.mulf %mul3A_15, %dot_general3A_13 : vector<512x4096xf32>
    %sub3A = arith.subf %add3A_11, %mul3A_16 : vector<512x4096xf32>
    %iota3A = tpu.iota {dimensions = array<i32: 0>} : vector<512x4096xi32>
    %reduce_min3A = arith.constant dense<0x7F800000> : vector<4096xf32>
    %reduce_min3A_17 = vector.multi_reduction <minimumf>, %sub3A, %reduce_min3A [0] : vector<512x4096xf32> to vector<4096xf32>
    %broadcast_in_dim3A_18 = vector.shape_cast %reduce_min3A_17 : vector<4096xf32> to vector<1x4096xf32>
    %eq3A = vector.broadcast %broadcast_in_dim3A_18 : vector<1x4096xf32> to vector<512x4096xf32>
    %eq3A_19 = arith.cmpf oeq, %sub3A, %eq3A : vector<512x4096xf32>
    %jit3A = arith.constant 512 : i32
    %broadcast_in_dim3A_20 = vector.broadcast %jit3A : i32 to vector<512x4096xi32>
    %select_n3A = arith.select %eq3A_19, %iota3A, %broadcast_in_dim3A_20 : vector<512x4096xi1>, vector<512x4096xi32>
    %reduce_min3A_21 = arith.constant dense<2147483647> : vector<4096xi32>
    %reduce_min3A_22 = vector.multi_reduction <minsi>, %select_n3A, %reduce_min3A_21 [0] : vector<512x4096xi32> to vector<4096xi32>
    %swap3A = arith.constant 0 : index
    %swap3A_23 = arith.constant 0 : index
    %swap3A_24 = arith.constant 0 : index
    %swap3A_25 = vector.load %arg3[%swap3A, %swap3A_23, %swap3A_24] : memref<1x1x4096xi32, #tpu.memory_space<vmem>>, vector<1x1x4096xi32>
    %swap3A_26 = vector.shape_cast %swap3A_25 : vector<1x1x4096xi32> to vector<4096xi32>
    %swap3A_27 = vector.shape_cast %reduce_min3A_22 : vector<4096xi32> to vector<1x1x4096xi32>
    tpu.vector_store %arg3[%swap3A, %swap3A_23, %swap3A_24], %swap3A_27 {strides = array<i32>} : memref<1x1x4096xi32, #tpu.memory_space<vmem>>, vector<1x1x4096xi32>,
    %reduce_sum3A_28 = vector.shape_cast %reduce_min3A_17 : vector<4096xf32> to vector<1x4096xf32>
    %reduce_sum3A_29 = arith.constant dense<0.000000e+00> : vector<1xf32>
    %reduce_sum3A_30 = vector.multi_reduction <add>, %reduce_sum3A_28, %reduce_sum3A_29 [1] : vector<1x4096xf32> to vector<1xf32>
    %reduce_sum3A_31 = vector.shape_cast %reduce_sum3A_30 : vector<1xf32> to vector<1x1xf32>
    %reduce_sum3A_32 = vector.extract %reduce_sum3A_31[0, 0] : f32 from vector<1x1xf32>
    %reshape3A = vector.broadcast %reduce_sum3A_32 : f32 to vector<1x1xf32>
    %eq3A_33 = arith.constant 0 : i32
    %eq3A_34 = arith.cmpi eq, %arg0, %eq3A_33 : i32
    %convert_element_type3A_35 = arith.extui %eq3A_34 : i1 to i32
    %cond3A = arith.constant 0 : i32
    %cond3A_36 = arith.cmpi ne, %convert_element_type3A_35, %cond3A : i32
    scf.if %cond3A_36 {
      %broadcast_in_dim3A_44 = arith.constant 0.000000e+00 : f32
      %broadcast_in_dim3A_45 = vector.broadcast %broadcast_in_dim3A_44 : f32 to vector<1x1xf32>
      %swap3A_46 = arith.constant 0 : index
      %swap3A_47 = arith.constant 0 : index
      %swap3A_48 = vector.load %arg4[%swap3A_46, %swap3A_47] : memref<1x1xf32, #tpu.memory_space<vmem>>, vector<1x1xf32>
      tpu.vector_store %arg4[%swap3A_46, %swap3A_47], %broadcast_in_dim3A_45 {strides = array<i32>} : memref<1x1xf32, #tpu.memory_space<vmem>>, vector<1x1xf32>,
    } else {
    }
    %get3A_37 = arith.constant 0 : index
    %get3A_38 = arith.constant 0 : index
    %get3A_39 = vector.load %arg4[%get3A_37, %get3A_38] : memref<1x1xf32, #tpu.memory_space<vmem>>, vector<1x1xf32>
    %add3A_40 = arith.addf %get3A_39, %reshape3A : vector<1x1xf32>
    %swap3A_41 = arith.constant 0 : index
    %swap3A_42 = arith.constant 0 : index
    %swap3A_43 = vector.load %arg4[%swap3A_41, %swap3A_42] : memref<1x1xf32, #tpu.memory_space<vmem>>, vector<1x1xf32>
    tpu.vector_store %arg4[%swap3A_41, %swap3A_42], %add3A_40 {strides = array<i32>} : memref<1x1xf32, #tpu.memory_space<vmem>>, vector<1x1xf32>,
    return
  }
  func.func @transform_0(%arg0: i32) -> (i32, i32) {
    %add3A = arith.constant 16 : i32
    %add3A_0 = arith.addi %arg0, %add3A : i32
    %c0_i32 = arith.constant 0 : i32
    %c0_i32_1 = arith.constant 0 : i32
    return %add3A_0, %c0_i32 : i32, i32
  }
  func.func @transform_1(%arg0: i32) -> (i32, i32) {
    %c0_i32 = arith.constant 0 : i32
    %c0_i32_0 = arith.constant 0 : i32
    %c0_i32_1 = arith.constant 0 : i32
    return %c0_i32, %c0_i32_0 : i32, i32
  }
  func.func @transform_2(%arg0: i32) -> (i32, i32, i32) {
    %c0_i32 = arith.constant 0 : i32
    %c0_i32_0 = arith.constant 0 : i32
    %c0_i32_1 = arith.constant 0 : i32
    return %arg0, %c0_i32, %c0_i32_0 : i32, i32, i32
  }
  func.func @transform_3(%arg0: i32) -> (i32, i32) {
    %c0_i32 = arith.constant 0 : i32
    %c0_i32_0 = arith.constant 0 : i32
    %c0_i32_1 = arith.constant 0 : i32
    return %c0_i32, %c0_i32_0 : i32, i32
  }
}

module attributes {stable_mosaic.version = 14 : i64} {
  func.func @_dist_body(%arg0: i32, %arg1: memref<4096x32xf32, #tpu.memory_space<vmem>>, %arg2: memref<512x32xf32, #tpu.memory_space<vmem>>, %arg3: memref<1x1x4096xi32, #tpu.memory_space<vmem>>, %arg4: memref<1x1xf32, #tpu.memory_space<vmem>>) attributes {dimension_semantics = [#tpu.dimension_semantics<arbitrary>], iteration_bounds = array<i64: 16>, scalar_prefetch = 0 : i64, scratch_operands = 0 : i64, tpu.core_type = #tpu.core_type<tc>, window_params = [{transform_indices = @transform_0, window_bounds = array<i64: 4096, 32>}, {pipeline_mode = #tpu.pipeline_mode<synchronous>, transform_indices = @transform_1, window_bounds = array<i64: 512, 32>}, {transform_indices = @transform_2, window_bounds = array<i64: 1, 1, 4096>}, {pipeline_mode = #tpu.pipeline_mode<synchronous>, transform_indices = @transform_3, window_bounds = array<i64: 1, 1>}]} {
    %get3A = arith.constant 0 : index
    %get3A_0 = arith.constant 0 : index
    %get3A_1 = vector.load %arg1[%get3A, %get3A_0] : memref<4096x32xf32, #tpu.memory_space<vmem>>, vector<4096x32xf32>
    %get3A_2 = arith.constant 0 : index
    %get3A_3 = arith.constant 0 : index
    %get3A_4 = vector.load %arg2[%get3A_2, %get3A_3] : memref<512x32xf32, #tpu.memory_space<vmem>>, vector<512x32xf32>
    %mul3A = arith.mulf %get3A_4, %get3A_4 : vector<512x32xf32>
    %reduce_sum3A = arith.constant dense<0.000000e+00> : vector<512xf32>
    %reduce_sum3A_5 = vector.multi_reduction <add>, %mul3A, %reduce_sum3A [1] : vector<512x32xf32> to vector<512xf32>
    %broadcast_in_dim3A = vector.shape_cast %reduce_sum3A_5 : vector<512xf32> to vector<512x1xf32>
    %mul3A_6 = arith.mulf %get3A_1, %get3A_1 : vector<4096x32xf32>
    %reduce_sum3A_7 = arith.constant dense<0.000000e+00> : vector<4096xf32>
    %reduce_sum3A_8 = vector.multi_reduction <add>, %mul3A_6, %reduce_sum3A_7 [1] : vector<4096x32xf32> to vector<4096xf32>
    %broadcast_in_dim3A_9 = vector.shape_cast %reduce_sum3A_8 : vector<4096xf32> to vector<4096x1xf32>
    %transpose3A = tpu.transpose %broadcast_in_dim3A_9, [1, 0] : vector<4096x1xf32> -> vector<1x4096xf32>
    %add3A = vector.broadcast %transpose3A : vector<1x4096xf32> to vector<512x4096xf32>
    %add3A_10 = vector.broadcast %broadcast_in_dim3A : vector<512x1xf32> to vector<512x4096xf32>
    %add3A_11 = arith.addf %add3A, %add3A_10 : vector<512x4096xf32>
    %convert_element_type3A = arith.truncf %get3A_4 : vector<512x32xf32> to vector<512x32xbf16>
    %convert_element_type3A_12 = arith.truncf %get3A_1 : vector<4096x32xf32> to vector<4096x32xbf16>
    %dot_general3A = arith.constant dense<0.000000e+00> : vector<512x4096xf32>
    %dot_general3A_13 = tpu.matmul %convert_element_type3A, %convert_element_type3A_12, %dot_general3A {dimension_numbers = #tpu.dot_dimension_numbers<[1], [1], [0], [0], [0, 0, 1, 0], [], []>, transpose_lhs_hint = false} : vector<512x32xbf16>, vector<4096x32xbf16>, vector<512x4096xf32> -> vector<512x4096xf32>
    %mul3A_14 = arith.constant 2.000000e+00 : f32
    %mul3A_15 = vector.broadcast %mul3A_14 : f32 to vector<512x4096xf32>
    %mul3A_16 = arith.mulf %mul3A_15, %dot_general3A_13 : vector<512x4096xf32>
    %sub3A = arith.subf %add3A_11, %mul3A_16 : vector<512x4096xf32>
    %iota3A = tpu.iota {dimensions = array<i32: 0>} : vector<512x4096xi32>
    %reduce_min3A = arith.constant dense<0x7F800000> : vector<4096xf32>
    %reduce_min3A_17 = vector.multi_reduction <minimumf>, %sub3A, %reduce_min3A [0] : vector<512x4096xf32> to vector<4096xf32>
    %broadcast_in_dim3A_18 = vector.shape_cast %reduce_min3A_17 : vector<4096xf32> to vector<1x4096xf32>
    %eq3A = vector.broadcast %broadcast_in_dim3A_18 : vector<1x4096xf32> to vector<512x4096xf32>
    %eq3A_19 = arith.cmpf oeq, %sub3A, %eq3A : vector<512x4096xf32>
    %jit3A = arith.constant 512 : i32
    %broadcast_in_dim3A_20 = vector.broadcast %jit3A : i32 to vector<512x4096xi32>
    %select_n3A = arith.select %eq3A_19, %iota3A, %broadcast_in_dim3A_20 : vector<512x4096xi1>, vector<512x4096xi32>
    %reduce_min3A_21 = arith.constant dense<2147483647> : vector<4096xi32>
    %reduce_min3A_22 = vector.multi_reduction <minsi>, %select_n3A, %reduce_min3A_21 [0] : vector<512x4096xi32> to vector<4096xi32>
    %swap3A = arith.constant 0 : index
    %swap3A_23 = arith.constant 0 : index
    %swap3A_24 = arith.constant 0 : index
    %swap3A_25 = vector.load %arg3[%swap3A, %swap3A_23, %swap3A_24] : memref<1x1x4096xi32, #tpu.memory_space<vmem>>, vector<1x1x4096xi32>
    %swap3A_26 = vector.shape_cast %swap3A_25 : vector<1x1x4096xi32> to vector<4096xi32>
    %swap3A_27 = vector.shape_cast %reduce_min3A_22 : vector<4096xi32> to vector<1x1x4096xi32>
    tpu.vector_store %arg3[%swap3A, %swap3A_23, %swap3A_24], %swap3A_27 {strides = array<i32>} : memref<1x1x4096xi32, #tpu.memory_space<vmem>>, vector<1x1x4096xi32>,
    %reduce_sum3A_28 = vector.shape_cast %reduce_min3A_17 : vector<4096xf32> to vector<1x4096xf32>
    %reduce_sum3A_29 = arith.constant dense<0.000000e+00> : vector<1xf32>
    %reduce_sum3A_30 = vector.multi_reduction <add>, %reduce_sum3A_28, %reduce_sum3A_29 [1] : vector<1x4096xf32> to vector<1xf32>
    %reduce_sum3A_31 = vector.shape_cast %reduce_sum3A_30 : vector<1xf32> to vector<1x1xf32>
    %reduce_sum3A_32 = vector.extract %reduce_sum3A_31[0, 0] : f32 from vector<1x1xf32>
    %reshape3A = vector.broadcast %reduce_sum3A_32 : f32 to vector<1x1xf32>
    %eq3A_33 = arith.constant 0 : i32
    %eq3A_34 = arith.cmpi eq, %arg0, %eq3A_33 : i32
    %convert_element_type3A_35 = arith.extui %eq3A_34 : i1 to i32
    %cond3A = arith.constant 0 : i32
    %cond3A_36 = arith.cmpi ne, %convert_element_type3A_35, %cond3A : i32
    scf.if %cond3A_36 {
      %broadcast_in_dim3A_44 = arith.constant 0.000000e+00 : f32
      %broadcast_in_dim3A_45 = vector.broadcast %broadcast_in_dim3A_44 : f32 to vector<1x1xf32>
      %swap3A_46 = arith.constant 0 : index
      %swap3A_47 = arith.constant 0 : index
      %swap3A_48 = vector.load %arg4[%swap3A_46, %swap3A_47] : memref<1x1xf32, #tpu.memory_space<vmem>>, vector<1x1xf32>
      tpu.vector_store %arg4[%swap3A_46, %swap3A_47], %broadcast_in_dim3A_45 {strides = array<i32>} : memref<1x1xf32, #tpu.memory_space<vmem>>, vector<1x1xf32>,
    } else {
    }
    %get3A_37 = arith.constant 0 : index
    %get3A_38 = arith.constant 0 : index
    %get3A_39 = vector.load %arg4[%get3A_37, %get3A_38] : memref<1x1xf32, #tpu.memory_space<vmem>>, vector<1x1xf32>
    %add3A_40 = arith.addf %get3A_39, %reshape3A : vector<1x1xf32>
    %swap3A_41 = arith.constant 0 : index
    %swap3A_42 = arith.constant 0 : index
    %swap3A_43 = vector.load %arg4[%swap3A_41, %swap3A_42] : memref<1x1xf32, #tpu.memory_space<vmem>>, vector<1x1xf32>
    tpu.vector_store %arg4[%swap3A_41, %swap3A_42], %add3A_40 {strides = array<i32>} : memref<1x1xf32, #tpu.memory_space<vmem>>, vector<1x1xf32>,
    return
  }
  func.func @transform_0(%arg0: i32) -> (i32, i32) {
    %add3A = arith.constant 0 : i32
    %add3A_0 = arith.addi %arg0, %add3A : i32
    %c0_i32 = arith.constant 0 : i32
    %c0_i32_1 = arith.constant 0 : i32
    return %add3A_0, %c0_i32 : i32, i32
  }
  func.func @transform_1(%arg0: i32) -> (i32, i32) {
    %c0_i32 = arith.constant 0 : i32
    %c0_i32_0 = arith.constant 0 : i32
    %c0_i32_1 = arith.constant 0 : i32
    return %c0_i32, %c0_i32_0 : i32, i32
  }
  func.func @transform_2(%arg0: i32) -> (i32, i32, i32) {
    %c0_i32 = arith.constant 0 : i32
    %c0_i32_0 = arith.constant 0 : i32
    %c0_i32_1 = arith.constant 0 : i32
    return %arg0, %c0_i32, %c0_i32_0 : i32, i32, i32
  }
  func.func @transform_3(%arg0: i32) -> (i32, i32) {
    %c0_i32 = arith.constant 0 : i32
    %c0_i32_0 = arith.constant 0 : i32
    %c0_i32_1 = arith.constant 0 : i32
    return %c0_i32, %c0_i32_0 : i32, i32
  }
}

</mosaic_0001>

<sc_bundles>
// kernel: kernel.6.cloned.1.call-start
scs
__scs_entry_jumppad:
0x0: {  	(pc) =	sbr.rel $0x88, $3  }
0x1: {  	(tag) =	ssettag $0x0;
	lr =	simm.s32 $0x1  }
0x2: {  	[smem:$0x3F9F] =	sst lr;
	_ =	strace $0xD0000000  }
0x3: {  	_ = 	snop  }
0x4: {  	_ = 	snop  }
0x5: {  	_ = 	snop  }
0x6: {  	_ = 	snop  }
0x7: {  	_ = 	snop  }
__scs_overlays_trampoline_lowered:
0x8: {  	[smem:$0x3FAE] =	sst s0  }
0x9: {  	[smem:$0x3FAF] =	sst s1  }
0xa: {  	[smem:$0x3FB0] =	sst s2  }
0xb: {  	[smem:$0x3FB1] =	sst s3  }
0xc: {  	[smem:$0x3FB2] =	sst s4  }
0xd: {  	[smem:$0x3FB3] =	sst s5  }
0xe: {  	[smem:$0x3FB4] =	sst s6  }
0xf: {  	[smem:$0x3FB5] =	sst s7  }
0x10: {  	[smem:$0x3FB6] =	sst s8  }
0x11: {  	[smem:$0x3FB7] =	sst s9;
	s0 =	simm.s32 @!p0 $0x0  }
0x12: {  	s1 =	sld [smem:$0x3F9D];
	s0 =	simm.s32 @p0 $0x1  }
0x13: {  	[smem:$0x3FB8] =	sst s0;
	s0 =	simm.s32 @!p1 $0x0  }
0x14: {  	s2 =	sld [smem:$0x3F9C];
	s0 =	simm.s32 @p1 $0x1  }
0x15: {  	[smem:$0x3FB9] =	sst s0;
	s0 =	simm.s32 @!p2 $0x0  }
0x16: {  	s3 =	sld [smem:$0x3FDB];
	s0 =	simm.s32 @p2 $0x1  }
0x17: {  	s4 =	simm.s32 $0x1BF5;
	[smem:$0x3FBB] =	sst s0  }
0x18: {  	s0 =	sld [smem:$0x3F9E];
	_ =	swait.ge [sflag:s4], $0x0  }
0x19: {  	s7 =	sld [smem:$0x3F9F]  }
0x1a: {  	s8 =	sadd.s32 $0xFFFFE003, lr  }
0x1b: {  	s9 =	sadd.s32 $0xFFFFFEF7, lr;
	s5 =	simm.s32 $0xFFFFFFFF;
	p2 =	slt.u32 s8, $0xFFFFF086  }
0x1c: {  	p1 =	slt.u32 s9, $0xF7A;
	s5 =	simm.s32 @!p2 $0x0  }
0x1d: {  	s5 =	simm.s32 @p1 $0x1;
	p0 =	seq.s32 s7, s2  }
0x1e: {  	s7 =	smul.u32 @!p0 $0xF7A, s2;
	p2 =	seq.s32 @!p0 s5, $0x0  }
0x1f: {  	s9 =	smul.u32 $0xF7A, s1;
	s8 =	simm.s32 @!p0 $0x1BF5;
	p2 =	por !p2, p0  }
0x20: {  	[sflag:s8] =	ssyncset.s32 @!p0 $0xFFFFF086;
	s6 =	sadd.s32 @!p0 s3, s7;
	s7 =	simm.s32 @!p0 $0x108  }
0x21: {  	s3 =	sadd.s32 s3, s9;
	s6 =	sadd.s32 @!p0 $0x88, s6;
	s7 =	simm.s32 @p2 $0x1082  }
0x22: {  	[simem:s7], [sflag:s8] =	dma.local @!p0 [hbm:s6], $0xF7A  }
0x23: {  	s9 =	sor.u32 $0xD0000000, s2;
	s6 =	simm.s32 $0x108;
	_ =	swait.ge @!p0 [sflag:s8], $0x0  }
0x24: {  	s3 =	sadd.s32 $0x88, s3;
	s6 =	simm.s32 @!p1 $0x1082;
	[sflag:s4] =	ssyncset.s32 $0xFFFFF086  }
0x25: {  	[simem:s6], [sflag:s4] =	dma.local [hbm:s3], $0xF7A  }
0x26: {  	[smem:$0x3F9F] =	sst s1;
	(tag) =	ssettag s2;
	_ =	strace s9  }
0x27: {  	s1 =	sld [smem:$0x3FAF]  }
0x28: {  	s2 =	sld [smem:$0x3FB0]  }
0x29: {  	s4 =	sld [smem:$0x3FB2]  }
0x2a: {  	p0 =	seq.s32 s5, $0x0;
	s5 =	sld [smem:$0x3FB3]  }
0x2b: {  	s6 =	sld [smem:$0x3FB4]  }
0x2c: {  	s7 =	sld [smem:$0x3FB5]  }
0x2d: {  	s3 =	simm.s32 $0x108;
	s8 =	sld [smem:$0x3FB6]  }
0x2e: {  	s3 =	simm.s32 @!p0 $0x1082;
	s9 =	sld [smem:$0x3FB7]  }
0x2f: {  	lr =	sadd.s32 s0, s3;
	s0 =	sld [smem:$0x3FAE]  }
0x30: {  	s3 =	sld [smem:$0x3FB1]  }
0x31: {  	[smem:$0x3FBA] =	sst s10  }
0x32: {  	s10 =	sld [smem:$0x3FB8];
	_ =	sdelay $0x3  }
0x33: {  	p0 =	seq.s32 s10, $0x1;
	s10 =	sld [smem:$0x3FBA];
	_ =	sdelay $0x3  }
0x34: {  	[smem:$0x3FBA] =	sst s10  }
0x35: {  	s10 =	sld [smem:$0x3FB9];
	_ =	sdelay $0x3  }
0x36: {  	p1 =	seq.s32 s10, $0x1;
	s10 =	sld [smem:$0x3FBA];
	_ =	sdelay $0x3  }
0x37: {  	[smem:$0x3FBA] =	sst s10  }
0x38: {  	s10 =	sld [smem:$0x3FBB]  }
0x39: {  	_ = 	snop;
	(pc) =	sbr.ind lr, $3  }
0x3a: {  	_ = 	snop  }
0x3b: {  	_ = 	snop  }
0x3c: {  	p2 =	seq.s32 s10, $0x1;
	s10 =	sld [smem:$0x3FBA]  }
0x3d: {  	_ =	shalt  }
0x3e: {  	_ =	shalt  }
0x3f: {  	_ =	shalt  }
0x40: {  	_ =	shalt  }
0x41: {  	_ =	shalt  }
0x42: {  	_ =	shalt  }
0x43: {  	_ =	shalt  }
0x44: {  	_ =	shalt  }
0x45: {  	_ =	shalt  }
0x46: {  	_ =	shalt  }
0x47: {  	_ =	shalt  }
0x48: {  	_ =	shalt  }
0x49: {  	_ =	shalt  }
0x4a: {  	_ =	shalt  }
0x4b: {  	_ =	shalt  }
0x4c: {  	_ =	shalt  }
0x4d: {  	_ =	shalt  }
0x4e: {  	_ =	shalt  }
0x4f: {  	_ =	shalt  }
0x50: {  	_ =	shalt  }
0x51: {  	_ =	shalt  }
0x52: {  	_ =	shalt  }
0x53: {  	_ =	shalt  }
0x54: {  	_ =	shalt  }
0x55: {  	_ =	shalt  }
0x56: {  	_ =	shalt  }
0x57: {  	_ =	shalt  }
0x58: {  	_ =	shalt  }
0x59: {  	_ =	shalt  }
0x5a: {  	_ =	shalt  }
0x5b: {  	_ =	shalt  }
0x5c: {  	_ =	shalt  }
0x5d: {  	_ =	shalt  }
0x5e: {  	_ =	shalt  }
0x5f: {  	_ =	shalt  }
0x60: {  	_ =	shalt  }
0x61: {  	_ =	shalt  }
0x62: {  	_ =	shalt  }
0x63: {  	_ =	shalt  }
0x64: {  	_ =	shalt  }
0x65: {  	_ =	shalt  }
0x66: {  	_ =	shalt  }
0x67: {  	_ =	shalt  }
0x68: {  	_ =	shalt  }
0x69: {  	_ =	shalt  }
0x6a: {  	_ =	shalt  }
0x6b: {  	_ =	shalt  }
0x6c: {  	_ =	shalt  }
0x6d: {  	_ =	shalt  }
0x6e: {  	_ =	shalt  }
0x6f: {  	_ =	shalt  }
0x70: {  	_ =	shalt  }
0x71: {  	_ =	shalt  }
0x72: {  	_ =	shalt  }
0x73: {  	_ =	shalt  }
0x74: {  	_ =	shalt  }
0x75: {  	_ =	shalt  }
0x76: {  	_ =	shalt  }
0x77: {  	_ =	shalt  }
0x78: {  	_ =	shalt  }
0x79: {  	_ =	shalt  }
0x7a: {  	_ =	shalt  }
0x7b: {  	_ =	shalt  }
0x7c: {  	_ =	shalt  }
0x7d: {  	_ =	shalt  }
0x7e: {  	_ =	shalt  }
0x7f: {  	_ =	shalt  }
0x80: {  	_ =	shalt  }
0x81: {  	_ =	shalt  }
0x82: {  	_ =	shalt  }
0x83: {  	_ =	shalt  }
0x84: {  	_ =	shalt  }
0x85: {  	_ =	shalt  }
0x86: {  	_ =	shalt  }
0x87: {  	_ =	shalt  }
.Lfunc_end0:
.L_simem_size_0:
called_computation_lowered:
.L_overlay_start_0:
0x88: {  	s2 =	sld [smem:$0x3FD9]  }
0x89: {  	s3 =	sld [smem:$0x3FFE];
	_ =	sdelay $0x1  }
0x8a: {  	s1 =	srdreg.scid  }
0x8b: {  	s0 =	sand.u32 $0x1, s1  }
0x8c: {  	s15 =	sshll.u32 s0, $0xA;
	s2 =	sadd.s32 s3, s2  }
0x8d: {  	s2 =	sadd.s32 s2, s15  }
0x8e: {  	[smem:$0x3FC6] =	sst s2  }
0x8f: {  	_ = 	snop  }
0x90: {  	s2 =	sld [smem:$0x3FD0];
	_ =	sdelay $0x2  }
0x91: {  	s16 =	simm.s32 $0xB;
	s4 =	simm.s32 $0x10  }
0x92: {  	[smem:s4], [sflag:s16] =	dma.local [hbm:s2], $0x1  }
0x93: {  	_ =	swait.eq [sflag:s16], $0x1  }
0x94: {  	[sflag:s16] =	ssyncset.done $0x0  }
0x95: {  	[sflag:s16] =	ssyncadd.s32 $0xFFFFFFFF  }
0x96: {  	s17 =	sld [smem:$0x10];
	(tm) =	ssettm $0x1  }
0x97: {  	s18 =	sld [smem:$0x3FFB];
	_ =	sdelay $0x3  }
0x98: {  	_ =	strace s18  }
0x99: {  	s2 =	sld [smem:$0x3FFC];
	_ =	sdelay $0x3  }
0x9a: {  	_ =	strace s2  }
0x9b: {  	s2 =	sld [smem:$0x3FFD];
	_ =	sdelay $0x3  }
0x9c: {  	_ =	strace s2  }
0x9d: {  	_ =	strace $0x8FFFFFFF  }
0x9e: {  	s19 =	sld [smem:$0x3FDB];
	_ =	sdelay $0x1  }
0x9f: {  	s20 =	simm.s32 $_scs_section_size  }
0xa0: {  	s5 =	simm.s32 $_size__tile_overlayer_lowered;
	s6 =	simm.s32 $_tile_overlayer_lowered  }
0xa1: {  	s7 =	simm.s32 $0x1BFF;
	s21 =	sshll.u32 s6, $0x1;
	s4 =	sadd.s32 s20, s19  }
0xa2: {  	s22 =	simm.s32 $0x0;
	s5 =	sshll.u32 s5, $0x1;
	s6 =	sadd.s32 s21, s4  }
0xa3: {  	[timem:s22], [sflag:s7] =	dma.local [hbm:s6], s5  }
0xa4: {  	_ =	swait.ge [sflag:s7], s5  }
0xa5: {  	s5 =	ssub.s32 $0x0, s5;
	[sflag:s7] =	ssyncset.done $0x0  }
0xa6: {  	[sflag:s7] =	ssyncadd.s32 s5;
	_ =	sdelay $0x1  }
0xa7: {  	s23 =	simm.s32 $0x1B8B  }
0xa8: {  	_ =	swait.ge [sflag:s23], $0x1  }
0xa9: {  	[sflag:s23] =	ssyncset.done $0x0  }
0xaa: {  	[sflag:s23] =	ssyncadd.s32 $0xFFFFFFFF  }
0xab: {  	s5 =	sld [smem:$0x0]  }
0xac: {  	s6 =	sand.u32 $0xFFFFFFFE, s1  }
0xad: {  	p0 =	sne.s32 s1, s6  }
0xae: {  	s6 =	sshll.u32 @p0 s6, $0xE  }
0xaf: {  	s6 =	sadd.s32 @p0 $0x11B8D, s6;
	s7 =	sshll.u32 @p0 s5, $0x11  }
0xb0: {  	s6 =	sor.u32 @p0 s7, s6  }
0xb1: {  	[sflag:s6] =	ssyncadd.remote.s32 @p0 $0x1;
	_ =	sdelay $0x1  }
0xb2: {  	s6 =	simm.s32 @p0 $0x1B8D  }
0xb3: {  	_ =	swait.eq @p0 [sflag:s6], $0x1  }
0xb4: {  	[sflag:s6] =	ssyncadd.s32 @p0 $0xFFFFFFFF  }
0xb5: {  	s7 =	sshll.u32 @!p0 s1, $0xE  }
0xb6: {  	s7 =	sor.u32 @!p0 $0x4000, s7;
	s6 =	simm.s32 @!p0 $0x1B8D  }
0xb7: {  	s5 =	sshll.u32 @!p0 s5, $0x11;
	s7 =	sadd.s32 @!p0 $0x11B8D, s7;
	_ =	swait.eq @!p0 [sflag:s6], $0x1  }
0xb8: {  	s5 =	sor.u32 @!p0 s5, s7;
	[sflag:s6] =	ssyncadd.s32 @!p0 $0xFFFFFFFF  }
0xb9: {  	s25 =	simm.s32 $0x1B8E;
	s24 =	sld [smem:$0x3FFE];
	[sflag:s5] =	ssyncadd.remote.s32 @!p0 $0x1  }
0xba: {  	s26 =	simm.s32 $execute0_lowered;
	[smem:$0x3FD2] =	sst s25  }
0xbb: {  	s6 =	sshll.u32 s26, $0x1;
	_ =	strace $0x80000049;
	[dreg:$0x1] =	wrdreg $0xFFFFFFFF  }
0xbc: {  	s28 =	simm.s32 $_size_execute0_lowered;
	s4 =	sadd.s32 s4, s6;
	[dreg:$0x0] =	wrdreg $0x0  }
0xbd: {  	s6 =	sshll.u32 s28, $0x1;
	[dreg:$0x2] =	wrdreg s4  }
0xbe: {  	[dreg:$0x3] =	wrdreg s6  }
0xbf: {  	[dreg:$0x4] =	wrdreg $0xC0  }
0xc0: {  	_ =	task [dreg:s22], $0x5FFFF  }
0xc1: {  	[dreg:$0x1] =	wrdreg $0xFFFFFFFF  }
0xc2: {  	[dreg:$0x0] =	wrdreg $0x60  }
0xc3: {  	[dreg:$0x2] =	wrdreg s24  }
0xc4: {  	[dreg:$0x3] =	wrdreg s17  }
0xc5: {  	[dreg:$0x4] =	wrdreg $0x9  }
0xc6: {  	_ =	task.clear_ibuf [dreg:s22], $0x5FFFF;
	_ =	strace $0x90000049  }
0xc7: {  	s29 =	simm.s32 $0x9;
	_ =	strace $0x8000004B  }
0xc8: {  	_ =	swait.ge [sflag:s29], $0x1  }
0xc9: {  	[sflag:s29] =	ssyncadd.s32 $0xFFFFFFFF  }
0xca: {  	_ =	strace $0x9000004B  }
0xcb: {  	_ =	sfence  }
0xcc: {  	s30 =	sld [smem:$0x0];
	_ =	sdelay $0x2  }
0xcd: {  	s31 =	sshll.u32 s1, $0xD;
	s1 =	sshrl.u32 s1, $0x2  }
0xce: {  	s4 =	sand.u32 $0x4000, s31;
	s1 =	sadd.s32 s1, s30  }
0xcf: {  	s0 =	sor.u32 s4, s0;
	s1 =	sshll.u32 s1, $0x11  }
0xd0: {  	s0 =	sor.u32 s1, s0  }
0xd1: {  	s0 =	sadd.s32 $0x8F2B, s0  }
0xd2: {  	[sflag:s0] =	ssyncadd.remote.s32 $0x1  }
0xd3: {  	_ =	sfence.sel $0xFFFF  }
0xd4: {  	[dreg:$0x0] =	wrdreg $0xFFFFFFFF;
	(pc) =	sbr.abs _section_cstart, $3  }
0xd5: {  	[dreg:$0x1] =	wrdreg $0xFFFFFFFF  }
0xd6: {  	_ =	task.clear_ibuf [dreg:s22], $0x2FFFF;
	_ =	strace $0x9FFFFFFF  }
0xd7: {  	(tm) =	ssettm $0x7FFFFFFF  }
tec
execute0_lowered:
.L_overlay_start_1:
0x0: {  	(tag) =	ssettag $0x1  }
0x1: {  	s1 =	srdreg.scid  }
0x2: {  	s7 =	rddreg [dreg:$0x0];
	s0 =	stileid.u32;
	s12 =	sand.u32 $0x1, s1  }
0x3: {  	s13 =	rddreg [dreg:$0x1];
	s3 =	sshll.u32 s0, $0xC;
	s4 =	sshll.u32 s12, $0xB  }
0x4: {  	s2 =	simm.s32 $0x0;
	s1 =	rddreg [dreg:$0x2];
	s10 =	sor.u32 s4, s3  }
0x5: {  	[smem:$0x7FF] =	sst s2;
	s5 =	sadd.s32 $0x1C00, s7;
	s3 =	sshrl.u32 s10, $0x3  }
0x6: {  	_ =	strace $0x8000004A;
	s4 =	simm.s32 $0x1;
	s3 =	sadd.s32 s5, s3  }
0x7: {  	[tilespmem:s2], [sflag:$0x1] =	stream.linear.gather [hbm4b:s3+s2], $0x400, $0x38;
	[tilespmem:$0x10800] =	vst v63  }
0x8: {  	s14 =	sor.u32 $0x400, s10;
	_ =	swait.ge [sflag:s4], $0x400  }
0x9: {  	s6 =	sshrl.u32 s14, $0x3;
	[sflag:s4] =	ssyncset.done $0x0  }
0xa: {  	s5 =	sadd.s32 s5, s6;
	s6 =	simm.s32 $0x400;
	[sflag:s4] =	ssyncadd.s32 $0xFFFFFC00  }
0xb: {  	[tilespmem:s6], [sflag:$0x1] =	stream.linear.gather [hbm4b:s5+s2], $0x400, $0x38;
	[tilespmem:$0x10800] =	vst v63  }
0xc: {  	s8 =	simm.s32 $0x800;
	s9 =	simm.s32 $0x2;
	s7 =	sadd.s32 $0x1400, s7  }
0xd: {  	[tilespmem:s8], [sflag:$0x2] =	stream.indirect.gather [hbm4b:s7+s6], $0x20, s2, s6, $0xb8;
	[tilespmem:$0x10800] =	vst v63  }
0xe: {  	_ =	swait.ge [sflag:s9], $0x8000  }
0xf: {  	s10 =	sshll.u32 s10, $0x2;
	[sflag:s9] =	ssyncset.done $0x0  }
0x10: {  	s10 =	sadd.s32 s13, s10;
	[sflag:s9] =	ssyncadd.s32 $0xFFFF8000  }
0x11: {  	[hbm4b:s10+s2] =	stream.linear.scatter [tilespmem:s8], [sflag:$0x3], $0x8000, $0x38;
	[tilespmem:$0x10800] =	vst v63  }
0x12: {  	_ =	swait.ge [sflag:s4], $0x400  }
0x13: {  	s15 =	ssub.s32 $0x2, s12;
	[sflag:s4] =	ssyncset.done $0x0  }
0x14: {  	s11 =	simm.s32 $0x8800;
	s31 =	sshrl.u32 s15, $0x1;
	[sflag:s4] =	ssyncadd.s32 $0xFFFFFC00  }
0x15: {  	[tilespmem:s11], [sflag:$0x2] =	stream.indirect.gather [hbm4b:s7+s6], $0x20, s6, s6, $0xb8;
	[tilespmem:$0x10800] =	vst v63  }
0x16: {  	s30 =	sshll.u32 s14, $0x2;
	s14 =	ssub.s32 s15, s31;
	_ =	swait.ge [sflag:s9], $0x8000  }
0x17: {  	s12 =	simm.s32 $0x3;
	s14 =	smax.u32 s14, $0x1;
	[sflag:s9] =	ssyncset.done $0x0  }
0x18: {  	s13 =	sadd.s32 s13, s30;
	p0 =	sne.s32 s14, $0x1;
	[sflag:s9] =	ssyncadd.s32 $0xFFFF8000  }
0x19: {  	[hbm4b:s13+s2] =	stream.linear.scatter [tilespmem:s11], [sflag:$0x3], $0x8000, $0x38;
	[tilespmem:$0x10800] =	vst v63  }
.Ltmp0:
0x1a: {  	_ =	swait.ge [sflag:s12], $0x8000;
	(pc) =	sbr.rel @!p0 .LBB2_2-.Ltmp0, $4  }
0x1b: {  	[sflag:s12] =	ssyncset.done $0x0  }
0x1c: {  	[sflag:s12] =	ssyncadd.s32 $0xFFFF8000  }
0x1d: {  	_ =	swait.ge [sflag:s12], $0x8000  }
0x1e: {  	s14 =	sadd.s32 $0xFFFFFFFF, s14;
	[sflag:s12] =	ssyncset.done $0x0  }
.LBB2_1:
0x1f: {  	p0 =	sne.s32 s14, $0x1;
	s14 =	sadd.s32 $0xFFFFFFFF, s14;
	[sflag:s12] =	ssyncadd.s32 $0xFFFF8000  }
0x20: {  	[tilespmem:s2], [sflag:$0x1] =	stream.linear.gather [hbm4b:s3+s2], $0x400, $0x38;
	[tilespmem:$0x10800] =	vst v63  }
0x21: {  	_ =	swait.ge [sflag:s4], $0x400  }
0x22: {  	[sflag:s4] =	ssyncset.done $0x0  }
0x23: {  	[sflag:s4] =	ssyncadd.s32 $0xFFFFFC00  }
0x24: {  	[tilespmem:s6], [sflag:$0x1] =	stream.linear.gather [hbm4b:s5+s2], $0x400, $0x38;
	[tilespmem:$0x10800] =	vst v63  }
0x25: {  	_ = 	snop  }
0x26: {  	[tilespmem:s8], [sflag:$0x2] =	stream.indirect.gather [hbm4b:s7+s6], $0x20, s2, s6, $0xb8;
	[tilespmem:$0x10800] =	vst v63  }
0x27: {  	_ =	swait.ge [sflag:s9], $0x8000  }
0x28: {  	[sflag:s9] =	ssyncset.done $0x0  }
0x29: {  	[sflag:s9] =	ssyncadd.s32 $0xFFFF8000  }
0x2a: {  	[hbm4b:s10+s2] =	stream.linear.scatter [tilespmem:s8], [sflag:$0x3], $0x8000, $0x38;
	[tilespmem:$0x10800] =	vst v63  }
0x2b: {  	_ =	swait.ge [sflag:s4], $0x400  }
0x2c: {  	[sflag:s4] =	ssyncset.done $0x0  }
0x2d: {  	[sflag:s4] =	ssyncadd.s32 $0xFFFFFC00  }
0x2e: {  	[tilespmem:s11], [sflag:$0x2] =	stream.indirect.gather [hbm4b:s7+s6], $0x20, s6, s6, $0xb8;
	[tilespmem:$0x10800] =	vst v63  }
0x2f: {  	_ =	swait.ge [sflag:s9], $0x8000  }
0x30: {  	[sflag:s9] =	ssyncset.done $0x0  }
0x31: {  	[sflag:s9] =	ssyncadd.s32 $0xFFFF8000  }
0x32: {  	[hbm4b:s13+s2] =	stream.linear.scatter [tilespmem:s11], [sflag:$0x3], $0x8000, $0x38;
	[tilespmem:$0x10800] =	vst v63  }
.Ltmp1:
0x33: {  	_ =	swait.ge [sflag:s12], $0x8000;
	(pc) =	sbr.rel @p0 .LBB2_1-.Ltmp1, $4  }
0x34: {  	[sflag:s12] =	ssyncset.done $0x0  }
0x35: {  	[sflag:s12] =	ssyncadd.s32 $0xFFFF8000  }
0x36: {  	_ =	swait.ge [sflag:s12], $0x8000  }
0x37: {  	[sflag:s12] =	ssyncset.done $0x0  }
.LBB2_2:
0x38: {  	[sflag:s12] =	ssyncadd.s32 $0xFFFF8000  }
0x39: {  	_ =	sfence.sel $0x180000  }
0x3a: {  	[bflag:$0x0] =	sbarrier.arrive $0xFFFF  }
0x3b: {  	p0 =	sne.s32 s0, $0x0;
	_ =	strace $0x9000004A  }
0x3c: {  	s0 =	sadd.s32 @!p0 $0x100000, s1;
	[bflag:$0x2] =	sbarrier.arrive $0xFFFF  }
0x3d: {  	[sflag:s0] =	ssyncadd.tile.s32 @!p0 $0x1;
	_ =	shalt  }
.Lfunc_end2:
_tile_overlayer_lowered:
.L_overlay_start_2:
0x3e: {  	(tag) =	ssettag $0x2  }
0x3f: {  	s0 =	rddreg [dreg:$0x0];
	s2 =	stileid.u32  }
0x40: {  	s1 =	rddreg [dreg:$0x1];
	p0 =	sne.s32 s2, $0x0  }
0x41: {  	s3 =	rddreg [dreg:$0x2];
	[bflag:$0x3] =	sbarrier.arrive $0xFFFF;
	s2 =	simm.s32 @!p0 $0x1C04  }
0x42: {  	[timem:s3], [sflag:s2] =	dma.local @!p0 [hbm:s0], s1  }
0x43: {  	s0 =	simm.s32 @!p0 $0x4  }
0x44: {  	_ =	swait.ge @!p0 [sflag:s0], s1  }
0x45: {  	s1 =	ssub.s32 @!p0 $0x0, s1;
	[sflag:s0] =	ssyncset.done @!p0 $0x0  }
0x46: {  	[sflag:s0] =	ssyncadd.s32 @!p0 s1  }
0x47: {  	[bflag:$0x3] =	sbarrier.arrive $0xFFFF  }
0x48: {  	_ =	shalt  }

// kernel: kernel.9.cloned.1.call-start
scs
__scs_entry_jumppad:
0x0: {  	(pc) =	sbr.rel $0x88, $3  }
0x1: {  	(tag) =	ssettag $0x0;
	lr =	simm.s32 $0x1  }
0x2: {  	[smem:$0x3F9F] =	sst lr;
	_ =	strace $0xD0000000  }
0x3: {  	_ = 	snop  }
0x4: {  	_ = 	snop  }
0x5: {  	_ = 	snop  }
0x6: {  	_ = 	snop  }
0x7: {  	_ = 	snop  }
__scs_overlays_trampoline_lowered:
0x8: {  	[smem:$0x3FAE] =	sst s0  }
0x9: {  	[smem:$0x3FAF] =	sst s1  }
0xa: {  	[smem:$0x3FB0] =	sst s2  }
0xb: {  	[smem:$0x3FB1] =	sst s3  }
0xc: {  	[smem:$0x3FB2] =	sst s4  }
0xd: {  	[smem:$0x3FB3] =	sst s5  }
0xe: {  	[smem:$0x3FB4] =	sst s6  }
0xf: {  	[smem:$0x3FB5] =	sst s7  }
0x10: {  	[smem:$0x3FB6] =	sst s8  }
0x11: {  	[smem:$0x3FB7] =	sst s9;
	s0 =	simm.s32 @!p0 $0x0  }
0x12: {  	s1 =	sld [smem:$0x3F9D];
	s0 =	simm.s32 @p0 $0x1  }
0x13: {  	[smem:$0x3FB8] =	sst s0;
	s0 =	simm.s32 @!p1 $0x0  }
0x14: {  	s2 =	sld [smem:$0x3F9C];
	s0 =	simm.s32 @p1 $0x1  }
0x15: {  	[smem:$0x3FB9] =	sst s0;
	s0 =	simm.s32 @!p2 $0x0  }
0x16: {  	s3 =	sld [smem:$0x3FDB];
	s0 =	simm.s32 @p2 $0x1  }
0x17: {  	s4 =	simm.s32 $0x1BF5;
	[smem:$0x3FBB] =	sst s0  }
0x18: {  	s0 =	sld [smem:$0x3F9E];
	_ =	swait.ge [sflag:s4], $0x0  }
0x19: {  	s7 =	sld [smem:$0x3F9F]  }
0x1a: {  	s8 =	sadd.s32 $0xFFFFE003, lr  }
0x1b: {  	s9 =	sadd.s32 $0xFFFFFEF7, lr;
	s5 =	simm.s32 $0xFFFFFFFF;
	p2 =	slt.u32 s8, $0xFFFFF086  }
0x1c: {  	p1 =	slt.u32 s9, $0xF7A;
	s5 =	simm.s32 @!p2 $0x0  }
0x1d: {  	s5 =	simm.s32 @p1 $0x1;
	p0 =	seq.s32 s7, s2  }
0x1e: {  	s7 =	smul.u32 @!p0 $0xF7A, s2;
	p2 =	seq.s32 @!p0 s5, $0x0  }
0x1f: {  	s9 =	smul.u32 $0xF7A, s1;
	s8 =	simm.s32 @!p0 $0x1BF5;
	p2 =	por !p2, p0  }
0x20: {  	[sflag:s8] =	ssyncset.s32 @!p0 $0xFFFFF086;
	s6 =	sadd.s32 @!p0 s3, s7;
	s7 =	simm.s32 @!p0 $0x108  }
0x21: {  	s3 =	sadd.s32 s3, s9;
	s6 =	sadd.s32 @!p0 $0x88, s6;
	s7 =	simm.s32 @p2 $0x1082  }
0x22: {  	[simem:s7], [sflag:s8] =	dma.local @!p0 [hbm:s6], $0xF7A  }
0x23: {  	s9 =	sor.u32 $0xD0000000, s2;
	s6 =	simm.s32 $0x108;
	_ =	swait.ge @!p0 [sflag:s8], $0x0  }
0x24: {  	s3 =	sadd.s32 $0x88, s3;
	s6 =	simm.s32 @!p1 $0x1082;
	[sflag:s4] =	ssyncset.s32 $0xFFFFF086  }
0x25: {  	[simem:s6], [sflag:s4] =	dma.local [hbm:s3], $0xF7A  }
0x26: {  	[smem:$0x3F9F] =	sst s1;
	(tag) =	ssettag s2;
	_ =	strace s9  }
0x27: {  	s1 =	sld [smem:$0x3FAF]  }
0x28: {  	s2 =	sld [smem:$0x3FB0]  }
0x29: {  	s4 =	sld [smem:$0x3FB2]  }
0x2a: {  	p0 =	seq.s32 s5, $0x0;
	s5 =	sld [smem:$0x3FB3]  }
0x2b: {  	s6 =	sld [smem:$0x3FB4]  }
0x2c: {  	s7 =	sld [smem:$0x3FB5]  }
0x2d: {  	s3 =	simm.s32 $0x108;
	s8 =	sld [smem:$0x3FB6]  }
0x2e: {  	s3 =	simm.s32 @!p0 $0x1082;
	s9 =	sld [smem:$0x3FB7]  }
0x2f: {  	lr =	sadd.s32 s0, s3;
	s0 =	sld [smem:$0x3FAE]  }
0x30: {  	s3 =	sld [smem:$0x3FB1]  }
0x31: {  	[smem:$0x3FBA] =	sst s10  }
0x32: {  	s10 =	sld [smem:$0x3FB8];
	_ =	sdelay $0x3  }
0x33: {  	p0 =	seq.s32 s10, $0x1;
	s10 =	sld [smem:$0x3FBA];
	_ =	sdelay $0x3  }
0x34: {  	[smem:$0x3FBA] =	sst s10  }
0x35: {  	s10 =	sld [smem:$0x3FB9];
	_ =	sdelay $0x3  }
0x36: {  	p1 =	seq.s32 s10, $0x1;
	s10 =	sld [smem:$0x3FBA];
	_ =	sdelay $0x3  }
0x37: {  	[smem:$0x3FBA] =	sst s10  }
0x38: {  	s10 =	sld [smem:$0x3FBB]  }
0x39: {  	_ = 	snop;
	(pc) =	sbr.ind lr, $3  }
0x3a: {  	_ = 	snop  }
0x3b: {  	_ = 	snop  }
0x3c: {  	p2 =	seq.s32 s10, $0x1;
	s10 =	sld [smem:$0x3FBA]  }
0x3d: {  	_ =	shalt  }
0x3e: {  	_ =	shalt  }
0x3f: {  	_ =	shalt  }
0x40: {  	_ =	shalt  }
0x41: {  	_ =	shalt  }
0x42: {  	_ =	shalt  }
0x43: {  	_ =	shalt  }
0x44: {  	_ =	shalt  }
0x45: {  	_ =	shalt  }
0x46: {  	_ =	shalt  }
0x47: {  	_ =	shalt  }
0x48: {  	_ =	shalt  }
0x49: {  	_ =	shalt  }
0x4a: {  	_ =	shalt  }
0x4b: {  	_ =	shalt  }
0x4c: {  	_ =	shalt  }
0x4d: {  	_ =	shalt  }
0x4e: {  	_ =	shalt  }
0x4f: {  	_ =	shalt  }
0x50: {  	_ =	shalt  }
0x51: {  	_ =	shalt  }
0x52: {  	_ =	shalt  }
0x53: {  	_ =	shalt  }
0x54: {  	_ =	shalt  }
0x55: {  	_ =	shalt  }
0x56: {  	_ =	shalt  }
0x57: {  	_ =	shalt  }
0x58: {  	_ =	shalt  }
0x59: {  	_ =	shalt  }
0x5a: {  	_ =	shalt  }
0x5b: {  	_ =	shalt  }
0x5c: {  	_ =	shalt  }
0x5d: {  	_ =	shalt  }
0x5e: {  	_ =	shalt  }
0x5f: {  	_ =	shalt  }
0x60: {  	_ =	shalt  }
0x61: {  	_ =	shalt  }
0x62: {  	_ =	shalt  }
0x63: {  	_ =	shalt  }
0x64: {  	_ =	shalt  }
0x65: {  	_ =	shalt  }
0x66: {  	_ =	shalt  }
0x67: {  	_ =	shalt  }
0x68: {  	_ =	shalt  }
0x69: {  	_ =	shalt  }
0x6a: {  	_ =	shalt  }
0x6b: {  	_ =	shalt  }
0x6c: {  	_ =	shalt  }
0x6d: {  	_ =	shalt  }
0x6e: {  	_ =	shalt  }
0x6f: {  	_ =	shalt  }
0x70: {  	_ =	shalt  }
0x71: {  	_ =	shalt  }
0x72: {  	_ =	shalt  }
0x73: {  	_ =	shalt  }
0x74: {  	_ =	shalt  }
0x75: {  	_ =	shalt  }
0x76: {  	_ =	shalt  }
0x77: {  	_ =	shalt  }
0x78: {  	_ =	shalt  }
0x79: {  	_ =	shalt  }
0x7a: {  	_ =	shalt  }
0x7b: {  	_ =	shalt  }
0x7c: {  	_ =	shalt  }
0x7d: {  	_ =	shalt  }
0x7e: {  	_ =	shalt  }
0x7f: {  	_ =	shalt  }
0x80: {  	_ =	shalt  }
0x81: {  	_ =	shalt  }
0x82: {  	_ =	shalt  }
0x83: {  	_ =	shalt  }
0x84: {  	_ =	shalt  }
0x85: {  	_ =	shalt  }
0x86: {  	_ =	shalt  }
0x87: {  	_ =	shalt  }
.Lfunc_end0:
.L_simem_size_0:
called_computation.1_lowered:
.L_overlay_start_0:
0x88: {  	s2 =	sld [smem:$0x3FD9]  }
0x89: {  	s3 =	sld [smem:$0x3FFE];
	_ =	sdelay $0x1  }
0x8a: {  	s1 =	srdreg.scid  }
0x8b: {  	s0 =	sand.u32 $0x1, s1  }
0x8c: {  	s16 =	sshll.u32 s0, $0xA;
	s2 =	sadd.s32 s3, s2  }
0x8d: {  	s2 =	sadd.s32 s2, s16  }
0x8e: {  	[smem:$0x3FC6] =	sst s2  }
0x8f: {  	_ = 	snop  }
0x90: {  	(tm) =	ssettm $0x1  }
0x91: {  	s17 =	sld [smem:$0x3FFB];
	_ =	sdelay $0x3  }
0x92: {  	_ =	strace s17  }
0x93: {  	s2 =	sld [smem:$0x3FFC];
	_ =	sdelay $0x3  }
0x94: {  	_ =	strace s2  }
0x95: {  	s2 =	sld [smem:$0x3FFD];
	_ =	sdelay $0x3  }
0x96: {  	_ =	strace s2  }
0x97: {  	_ =	strace $0x8FFFFFFF  }
0x98: {  	s18 =	sld [smem:$0x3FDB];
	_ =	sdelay $0x1  }
0x99: {  	s19 =	simm.s32 $_scs_section_size  }
0x9a: {  	s4 =	simm.s32 $_size__tile_overlayer_lowered;
	s5 =	simm.s32 $_tile_overlayer_lowered  }
0x9b: {  	s22 =	simm.s32 $0x1BFF;
	s21 =	sshll.u32 s5, $0x1;
	s2 =	sadd.s32 s19, s18  }
0x9c: {  	s6 =	simm.s32 $0x0;
	s20 =	sshll.u32 s4, $0x1;
	s4 =	sadd.s32 s21, s2  }
0x9d: {  	[timem:s6], [sflag:s22] =	dma.local [hbm:s4], s20  }
0x9e: {  	_ =	swait.ge [sflag:s22], s20  }
0x9f: {  	s3 =	ssub.s32 $0x0, s20;
	[sflag:s22] =	ssyncset.done $0x0  }
0xa0: {  	[sflag:s22] =	ssyncadd.s32 s3;
	_ =	sdelay $0x1  }
0xa1: {  	s23 =	simm.s32 $0x1B8B  }
0xa2: {  	_ =	swait.ge [sflag:s23], $0x1  }
0xa3: {  	[sflag:s23] =	ssyncset.done $0x0  }
0xa4: {  	s25 =	simm.s32 $0x1B8E;
	s24 =	sld [smem:$0x3FFE];
	[sflag:s23] =	ssyncadd.s32 $0xFFFFFFFF  }
0xa5: {  	s26 =	simm.s32 $execute0_lowered;
	[smem:$0x3FD2] =	sst s25  }
0xa6: {  	s4 =	sshll.u32 s26, $0x1;
	_ =	strace $0x80000046;
	[dreg:$0x1] =	wrdreg $0xFFFFFFFF  }
0xa7: {  	s28 =	simm.s32 $_size_execute0_lowered;
	s2 =	sadd.s32 s2, s4;
	[dreg:$0x0] =	wrdreg $0x0  }
0xa8: {  	s4 =	sshll.u32 s28, $0x1;
	[dreg:$0x2] =	wrdreg s2  }
0xa9: {  	[dreg:$0x3] =	wrdreg s4  }
0xaa: {  	[dreg:$0x4] =	wrdreg $0xC0  }
0xab: {  	_ =	task [dreg:s6], $0x5FFFF  }
0xac: {  	[dreg:$0x1] =	wrdreg $0xFFFFFFFF  }
0xad: {  	[dreg:$0x0] =	wrdreg $0x60  }
0xae: {  	[dreg:$0x2] =	wrdreg s24  }
0xaf: {  	[dreg:$0x3] =	wrdreg $0xA  }
0xb0: {  	_ =	task.clear_ibuf [dreg:s6], $0x4FFFF;
	_ =	strace $0x90000046  }
0xb1: {  	s29 =	simm.s32 $0xA;
	_ =	strace $0x80000048  }
0xb2: {  	_ =	swait.ge [sflag:s29], $0x1  }
0xb3: {  	[sflag:s29] =	ssyncadd.s32 $0xFFFFFFFF  }
0xb4: {  	_ =	strace $0x90000048  }
0xb5: {  	_ =	sfence  }
0xb6: {  	s30 =	sld [smem:$0x0];
	_ =	sdelay $0x2  }
0xb7: {  	s31 =	sshll.u32 s1, $0xD;
	s1 =	sshrl.u32 s1, $0x2  }
0xb8: {  	s3 =	sand.u32 $0x4000, s31;
	s1 =	sadd.s32 s1, s30  }
0xb9: {  	s0 =	sor.u32 s3, s0;
	s1 =	sshll.u32 s1, $0x11  }
0xba: {  	s0 =	sor.u32 s1, s0  }
0xbb: {  	s0 =	sadd.s32 $0x8F2B, s0  }
0xbc: {  	[sflag:s0] =	ssyncadd.remote.s32 $0x1  }
0xbd: {  	_ =	sfence.sel $0xFFFF  }
0xbe: {  	[dreg:$0x0] =	wrdreg $0xFFFFFFFF;
	(pc) =	sbr.abs _section_cstart, $3  }
0xbf: {  	[dreg:$0x1] =	wrdreg $0xFFFFFFFF  }
0xc0: {  	_ =	task.clear_ibuf [dreg:s6], $0x2FFFF;
	_ =	strace $0x9FFFFFFF  }
0xc1: {  	(tm) =	ssettm $0x7FFFFFFF  }
tec
execute0_lowered:
.L_overlay_start_1:
0x0: {  	(tag) =	ssettag $0x1  }
0x1: {  	s1 =	srdreg.scid  }
0x2: {  	s0 =	stileid.u32;
	s12 =	sand.u32 $0x1, s1  }
0x3: {  	s10 =	rddreg [dreg:$0x0];
	s3 =	sshll.u32 s0, $0xC;
	s4 =	sshll.u32 s12, $0xB  }
0x4: {  	s2 =	simm.s32 $0x0;
	s1 =	rddreg [dreg:$0x1];
	s11 =	sor.u32 s4, s3  }
0x5: {  	[smem:$0x7FF] =	sst s2;
	s5 =	sadd.s32 $0x201C00, s10;
	s3 =	sshrl.u32 s11, $0x3  }
0x6: {  	_ =	strace $0x80000047;
	s4 =	simm.s32 $0x1;
	s3 =	sadd.s32 s5, s3  }
0x7: {  	[tilespmem:s2], [sflag:$0x1] =	stream.linear.gather [hbm4b:s3+s2], $0x400, $0x38;
	[tilespmem:$0x10800] =	vst v63  }
0x8: {  	s13 =	sor.u32 $0x400, s11;
	_ =	swait.ge [sflag:s4], $0x400  }
0x9: {  	s6 =	sshrl.u32 s13, $0x3;
	[sflag:s4] =	ssyncset.done $0x0  }
0xa: {  	s5 =	sadd.s32 s5, s6;
	s6 =	simm.s32 $0x400;
	[sflag:s4] =	ssyncadd.s32 $0xFFFFFC00  }
0xb: {  	[tilespmem:s6], [sflag:$0x1] =	stream.linear.gather [hbm4b:s5+s2], $0x400, $0x38;
	[tilespmem:$0x10800] =	vst v63  }
0xc: {  	s8 =	simm.s32 $0x800;
	s9 =	simm.s32 $0x2;
	s7 =	sadd.s32 $0x1400, s10  }
0xd: {  	[tilespmem:s8], [sflag:$0x2] =	stream.indirect.gather [hbm4b:s7+s6], $0x20, s2, s6, $0xb8;
	[tilespmem:$0x10800] =	vst v63  }
0xe: {  	_ =	swait.ge [sflag:s9], $0x8000  }
0xf: {  	s14 =	sadd.s32 $0x203C00, s10;
	s29 =	sshll.u32 s11, $0x2;
	[sflag:s9] =	ssyncset.done $0x0  }
0x10: {  	s10 =	sadd.s32 s14, s29;
	[sflag:s9] =	ssyncadd.s32 $0xFFFF8000  }
0x11: {  	[hbm4b:s10+s2] =	stream.linear.scatter [tilespmem:s8], [sflag:$0x3], $0x8000, $0x38;
	[tilespmem:$0x10800] =	vst v63  }
0x12: {  	s15 =	ssub.s32 $0x2, s12;
	_ =	swait.ge [sflag:s4], $0x400  }
0x13: {  	s31 =	sshrl.u32 s15, $0x1;
	[sflag:s4] =	ssyncset.done $0x0  }
0x14: {  	s11 =	simm.s32 $0x8800;
	s30 =	sshll.u32 s13, $0x2;
	[sflag:s4] =	ssyncadd.s32 $0xFFFFFC00  }
0x15: {  	[tilespmem:s11], [sflag:$0x2] =	stream.indirect.gather [hbm4b:s7+s6], $0x20, s6, s6, $0xb8;
	[tilespmem:$0x10800] =	vst v63  }
0x16: {  	s13 =	sadd.s32 s14, s30;
	s14 =	ssub.s32 s15, s31;
	_ =	swait.ge [sflag:s9], $0x8000  }
0x17: {  	s14 =	smax.u32 s14, $0x1;
	[sflag:s9] =	ssyncset.done $0x0  }
0x18: {  	s12 =	simm.s32 $0x3;
	p0 =	sne.s32 s14, $0x1;
	[sflag:s9] =	ssyncadd.s32 $0xFFFF8000  }
0x19: {  	[hbm4b:s13+s2] =	stream.linear.scatter [tilespmem:s11], [sflag:$0x3], $0x8000, $0x38;
	[tilespmem:$0x10800] =	vst v63  }
.Ltmp0:
0x1a: {  	_ =	swait.ge [sflag:s12], $0x8000;
	(pc) =	sbr.rel @!p0 .LBB2_2-.Ltmp0, $4  }
0x1b: {  	[sflag:s12] =	ssyncset.done $0x0  }
0x1c: {  	[sflag:s12] =	ssyncadd.s32 $0xFFFF8000  }
0x1d: {  	_ =	swait.ge [sflag:s12], $0x8000  }
0x1e: {  	s14 =	sadd.s32 $0xFFFFFFFF, s14;
	[sflag:s12] =	ssyncset.done $0x0  }
.LBB2_1:
0x1f: {  	p0 =	sne.s32 s14, $0x1;
	s14 =	sadd.s32 $0xFFFFFFFF, s14;
	[sflag:s12] =	ssyncadd.s32 $0xFFFF8000  }
0x20: {  	[tilespmem:s2], [sflag:$0x1] =	stream.linear.gather [hbm4b:s3+s2], $0x400, $0x38;
	[tilespmem:$0x10800] =	vst v63  }
0x21: {  	_ =	swait.ge [sflag:s4], $0x400  }
0x22: {  	[sflag:s4] =	ssyncset.done $0x0  }
0x23: {  	[sflag:s4] =	ssyncadd.s32 $0xFFFFFC00  }
0x24: {  	[tilespmem:s6], [sflag:$0x1] =	stream.linear.gather [hbm4b:s5+s2], $0x400, $0x38;
	[tilespmem:$0x10800] =	vst v63  }
0x25: {  	_ = 	snop  }
0x26: {  	[tilespmem:s8], [sflag:$0x2] =	stream.indirect.gather [hbm4b:s7+s6], $0x20, s2, s6, $0xb8;
	[tilespmem:$0x10800] =	vst v63  }
0x27: {  	_ =	swait.ge [sflag:s9], $0x8000  }
0x28: {  	[sflag:s9] =	ssyncset.done $0x0  }
0x29: {  	[sflag:s9] =	ssyncadd.s32 $0xFFFF8000  }
0x2a: {  	[hbm4b:s10+s2] =	stream.linear.scatter [tilespmem:s8], [sflag:$0x3], $0x8000, $0x38;
	[tilespmem:$0x10800] =	vst v63  }
0x2b: {  	_ =	swait.ge [sflag:s4], $0x400  }
0x2c: {  	[sflag:s4] =	ssyncset.done $0x0  }
0x2d: {  	[sflag:s4] =	ssyncadd.s32 $0xFFFFFC00  }
0x2e: {  	[tilespmem:s11], [sflag:$0x2] =	stream.indirect.gather [hbm4b:s7+s6], $0x20, s6, s6, $0xb8;
	[tilespmem:$0x10800] =	vst v63  }
0x2f: {  	_ =	swait.ge [sflag:s9], $0x8000  }
0x30: {  	[sflag:s9] =	ssyncset.done $0x0  }
0x31: {  	[sflag:s9] =	ssyncadd.s32 $0xFFFF8000  }
0x32: {  	[hbm4b:s13+s2] =	stream.linear.scatter [tilespmem:s11], [sflag:$0x3], $0x8000, $0x38;
	[tilespmem:$0x10800] =	vst v63  }
.Ltmp1:
0x33: {  	_ =	swait.ge [sflag:s12], $0x8000;
	(pc) =	sbr.rel @p0 .LBB2_1-.Ltmp1, $4  }
0x34: {  	[sflag:s12] =	ssyncset.done $0x0  }
0x35: {  	[sflag:s12] =	ssyncadd.s32 $0xFFFF8000  }
0x36: {  	_ =	swait.ge [sflag:s12], $0x8000  }
0x37: {  	[sflag:s12] =	ssyncset.done $0x0  }
.LBB2_2:
0x38: {  	[sflag:s12] =	ssyncadd.s32 $0xFFFF8000  }
0x39: {  	_ =	sfence.sel $0x180000  }
0x3a: {  	[bflag:$0x0] =	sbarrier.arrive $0xFFFF  }
0x3b: {  	p0 =	sne.s32 s0, $0x0;
	_ =	strace $0x90000047  }
0x3c: {  	s0 =	sadd.s32 @!p0 $0x100000, s1;
	[bflag:$0x2] =	sbarrier.arrive $0xFFFF  }
0x3d: {  	[sflag:s0] =	ssyncadd.tile.s32 @!p0 $0x1;
	_ =	shalt  }
.Lfunc_end2:
_tile_overlayer_lowered:
.L_overlay_start_2:
0x3e: {  	(tag) =	ssettag $0x2  }
0x3f: {  	s0 =	rddreg [dreg:$0x0];
	s2 =	stileid.u32  }
0x40: {  	s1 =	rddreg [dreg:$0x1];
	p0 =	sne.s32 s2, $0x0  }
0x41: {  	s3 =	rddreg [dreg:$0x2];
	[bflag:$0x3] =	sbarrier.arrive $0xFFFF;
	s2 =	simm.s32 @!p0 $0x1C04  }
0x42: {  	[timem:s3], [sflag:s2] =	dma.local @!p0 [hbm:s0], s1  }
0x43: {  	s0 =	simm.s32 @!p0 $0x4  }
0x44: {  	_ =	swait.ge @!p0 [sflag:s0], s1  }
0x45: {  	s1 =	ssub.s32 @!p0 $0x0, s1;
	[sflag:s0] =	ssyncset.done @!p0 $0x0  }
0x46: {  	[sflag:s0] =	ssyncadd.s32 @!p0 s1  }
0x47: {  	[bflag:$0x3] =	sbarrier.arrive $0xFFFF  }
0x48: {  	_ =	shalt  }

</sc_bundles>
